<compile_context>
chip_gen: v7x
topology: tpu7x:2x2x1
jax: 0.10.2.dev20260603
libtpu: 0.0.44.dev20260713+nightly
codegen_flags: <defaults>
</compile_context>

<pallas_src>
import functools

import jax
import jax.numpy as jnp
from jax import lax
from jax.experimental import pallas as pl
from jax.experimental.pallas import tpu as pltpu
from jax.experimental.pallas import tpu_sc as plsc

VOCAB = 1000000
EMBED = 64
SEQ = 77
BATCH = 4096

NC = 2
NS = 16
NW = NC * NS

BBLK = BATCH // NW
NGB = 5
NOB = 3


def _make_kernel():
    mesh = plsc.VectorSubcoreMesh(core_axis_name="c", subcore_axis_name="s")

    @functools.partial(
        pl.kernel,
        mesh=mesh,
        out_type=jax.ShapeDtypeStruct((SEQ, EMBED, BATCH), jnp.float32),
        scratch_types=[
            pltpu.VMEM((EMBED, 128), jnp.float32),
            pltpu.VMEM((SEQ, BBLK), jnp.int32),
            pltpu.VMEM((NGB, BBLK, 128), jnp.float32),
            pltpu.VMEM((NOB, EMBED, BBLK), jnp.float32),
            pltpu.SemaphoreType.DMA((NGB,)),
            pltpu.SemaphoreType.DMA((NOB,)),
        ],
        compiler_params=pltpu.CompilerParams(
            use_tc_tiling_on_sc=True, needs_layout_passes=False),
    )
    def body(ids_hbm, tab_hbm, pos_hbm, out_hbm, pos_v, ids_v, gbuf, obuf,
             gsem, wsem):
        wid = lax.axis_index("s") * NC + lax.axis_index("c")
        b0 = wid * BBLK

        pltpu.sync_copy(pos_hbm, pos_v)
        pltpu.sync_copy(ids_hbm.at[:, pl.ds(b0, BBLK)], ids_v)
        iota = lax.iota(jnp.int32, 16)

        def gather_descr(s):
            slot = lax.rem(s, NGB)
            return pltpu.make_async_copy(
                tab_hbm.at[ids_v.at[s]], gbuf.at[slot], gsem.at[slot])

        def write_descr(s):
            slot = lax.rem(s, NOB)
            return pltpu.make_async_copy(
                obuf.at[slot], out_hbm.at[s, :, pl.ds(b0, BBLK)],
                wsem.at[slot])

        for s in range(NGB - 1):
            gather_descr(s).start()

        jvecs = [jv * 16 + iota for jv in range(BBLK // 16)]

        def s_body(s, carry):
            @pl.when(s + NGB - 1 < SEQ)
            def _():
                gather_descr(s + NGB - 1).start()

            gather_descr(s).wait()

            @pl.when(s >= NOB)
            def _():
                write_descr(s - NOB).wait()

            gslot = lax.rem(s, NGB)
            oslot = lax.rem(s, NOB)
            s_splat = lax.broadcast(s, (16,))
            pos_q = [
                plsc.load_gather(pos_v, [q * 16 + iota, s_splat])
                for q in range(EMBED // 16)
            ]
            ob = obuf.at[oslot]
            dvecs = [q * 16 + iota for q in range(EMBED // 16)]

            def j_body(t, carry2):
                NT = 8
                base = t * NT
                js = [lax.broadcast(base + k, (16,)) for k in range(NT)]
                loads = [
                    [gbuf[gslot, base + k, pl.ds(q * 16, 16)]
                     for q in range(EMBED // 16)]
                    for k in range(NT)
                ]
                sums = [
                    [loads[k][q] + pos_q[q] for q in range(EMBED // 16)]
                    for k in range(NT)
                ]
                for k in range(NT):
                    for q in range(EMBED // 16):
                        plsc.store_scatter(ob, [dvecs[q], js[k]], sums[k][q])
                return carry2

            lax.fori_loop(0, BBLK // 8, j_body, 0)

            write_descr(s).start()
            return carry

        lax.fori_loop(0, SEQ, s_body, 0)
        write_descr(SEQ - 3).wait()
        write_descr(SEQ - 2).wait()
        write_descr(SEQ - 1).wait()

    return body


_sc_kernel = _make_kernel()

_TBLK = 16384


def _prep_body(x_ref, y_ref):
    x = x_ref[...]
    ii = lax.broadcasted_iota(jnp.int32, (EMBED, EMBED), 0)
    jj = lax.broadcasted_iota(jnp.int32, (EMBED, EMBED), 1)
    eye = (ii == jj).astype(jnp.float32)
    y_ref[:, 0:EMBED] = lax.dot_general(
        x, eye, (((0,), (0,)), ((), ())),
        preferred_element_type=jnp.float32)


def _tc_prep(tab_t):
    grid = (VOCAB + _TBLK - 1) // _TBLK
    return pl.pallas_call(
        _prep_body,
        grid=(grid,),
        in_specs=[pl.BlockSpec((EMBED, _TBLK), lambda j: (0, j))],
        out_specs=pl.BlockSpec((_TBLK, 128), lambda j: (j, 0)),
        out_shape=jax.ShapeDtypeStruct((VOCAB, 128), jnp.float32),
        compiler_params=pltpu.CompilerParams(
            dimension_semantics=("arbitrary",)),
    )(tab_t)


def kernel(input_ids, token_embedding, position_embedding):
    ids_p = input_ids.T.astype(jnp.int32)
    tab3 = _tc_prep(token_embedding.T)
    pos_p = position_embedding.T
    out_p = _sc_kernel(ids_p, tab3, pos_p)
    return out_p.transpose(2, 0, 1)

# --- scband reference (transcript-rebuilt; emitter-appended) ---
"""Pipeline reference for scband-clipseg-text-embeddings-4655744549468 (READ-ONLY COPY).

The authoritative reference and input builder live on the scoring server;
editing this copy changes nothing except your own understanding.
"""

import jax, jax.numpy as jnp
import numpy as np

VOCAB = 1000000
EMBED = 64
MAX_POS = 128
BATCH = 4096
SEQ = 77

def setup_inputs(seed: int = 0) -> dict:
    key = jax.random.key(seed)
    k1, k2, k3 = jax.random.split(key, 3)
    input_ids = jax.random.randint(k1, (BATCH, SEQ), 0, VOCAB, dtype=jnp.int64 if jax.config.jax_enable_x64 else jnp.int32)
    token_embedding = jax.random.normal(k2, (VOCAB, EMBED), dtype=jnp.float32) * 0.02
    position_embedding = jax.random.normal(k3, (MAX_POS, EMBED), dtype=jnp.float32) * 0.02
    return {"input_ids": input_ids, "token_embedding": token_embedding, "position_embedding": position_embedding}

def reference(input_ids, token_embedding, position_embedding):
    seq_length = input_ids.shape[-1]
    # position_ids = arange(max_position_embeddings)[None, :seq_length]
    position_ids = jnp.arange(seq_length)[None, :]
    inputs_embeds = jnp.take(token_embedding, input_ids, axis=0)          # [B, S, D]
    position_embeddings = jnp.take(position_embedding, position_ids, axis=0)  # [1, S, D]
    embeddings = inputs_embeds + position_embeddings
    return embeddings

if __name__ == "__main__":
    import jax
    _d = setup_inputs()
    print(jax.jit(kernel)(*tuple(_d.values())))

</pallas_src>

<mosaic_0001>
#map = affine_map<(d0, d1) -> (0, 0)>
#map1 = affine_map<(d0, d1) -> (0, 0, 0)>
module attributes {stable_mosaic.version = 14 : i64} {
  func.func @body(%arg0: i32, %arg1: i32, %arg2: memref<77x4096xi32, #tpu.memory_space<hbm>>, %arg3: memref<1000000x128xf32, #tpu.memory_space<hbm>>, %arg4: memref<64x128xf32, #tpu.memory_space<hbm>>, %arg5: memref<77x64x4096xf32, #tpu.memory_space<hbm>>, %arg6: memref<64x128xf32, #tpu.memory_space<vmem>>, %arg7: memref<77x128xi32, #tpu.memory_space<vmem>>, %arg8: memref<5x128x128xf32, #tpu.memory_space<vmem>>, %arg9: memref<3x64x128xf32, #tpu.memory_space<vmem>>, %arg10: memref<5x!tpu.dma_semaphore, #tpu.memory_space<semaphore_mem>>, %arg11: memref<3x!tpu.dma_semaphore, #tpu.memory_space<semaphore_mem>>) attributes {dimension_semantics = [#tpu.dimension_semantics<core_parallel>, #tpu.dimension_semantics<subcore_parallel>], iteration_bounds = array<i64: 2, 16>, scalar_prefetch = 0 : i64, scratch_operands = 6 : i64, tpu.core_type = #tpu.core_type<sc_vector_subcore>, window_params = [{transform_indices = #map}, {transform_indices = #map}, {transform_indices = #map}, {transform_indices = #map1}]} {
    %mul3A = arith.constant 2 : i32
    %mul3A_0 = arith.muli %arg1, %mul3A : i32
    %add3A = arith.addi %mul3A_0, %arg0 : i32
    %mul3A_1 = arith.constant 128 : i32
    %mul3A_2 = arith.muli %add3A, %mul3A_1 : i32
    "tpu.region"() ({
      %run_scoped3A = tpu.sem_alloc : memref<!tpu.dma_semaphore, #tpu.memory_space<semaphore_mem>>
      tpu.enqueue_dma source(%arg4 : memref<64x128xf32, #tpu.memory_space<hbm>>) target(%arg6 : memref<64x128xf32, #tpu.memory_space<vmem>>) target_semaphore(%run_scoped3A : memref<!tpu.dma_semaphore, #tpu.memory_space<semaphore_mem>>)
      tpu.wait_dma2 semaphore(%run_scoped3A : memref<!tpu.dma_semaphore, #tpu.memory_space<semaphore_mem>>) src(%arg4 : memref<64x128xf32, #tpu.memory_space<hbm>>) dst(%arg6 : memref<64x128xf32, #tpu.memory_space<vmem>>)
      tpu.yield
    }) : () -> ()
    "tpu.region"() ({
      %run_scoped3A = tpu.sem_alloc : memref<!tpu.dma_semaphore, #tpu.memory_space<semaphore_mem>>
      %dma_start3A_153 = arith.constant 0 : i32
      %dma_start3A_154 = tpu.memref_slice %arg2[%dma_start3A_153, %mul3A_2] : memref<77x4096xi32, #tpu.memory_space<hbm>> -> memref<77x128xi32, #tpu.memory_space<hbm>>
      %dma_start3A_155 = arith.constant 0 : i32
      %dma_start3A_156 = tpu.memref_slice %arg2[%dma_start3A_155, %mul3A_2] : memref<77x4096xi32, #tpu.memory_space<hbm>> -> memref<77x128xi32, #tpu.memory_space<hbm>>
      tpu.enqueue_dma source(%dma_start3A_156 : memref<77x128xi32, #tpu.memory_space<hbm>>) target(%arg7 : memref<77x128xi32, #tpu.memory_space<vmem>>) target_semaphore(%run_scoped3A : memref<!tpu.dma_semaphore, #tpu.memory_space<semaphore_mem>>)
      %dma_wait3A_157 = arith.constant 0 : i32
      %dma_wait3A_158 = tpu.memref_slice %arg2[%dma_wait3A_157, %mul3A_2] : memref<77x4096xi32, #tpu.memory_space<hbm>> -> memref<77x128xi32, #tpu.memory_space<hbm>>
      %dma_wait3A_159 = arith.constant 0 : i32
      %dma_wait3A_160 = tpu.memref_slice %arg2[%dma_wait3A_159, %mul3A_2] : memref<77x4096xi32, #tpu.memory_space<hbm>> -> memref<77x128xi32, #tpu.memory_space<hbm>>
      tpu.wait_dma2 semaphore(%run_scoped3A : memref<!tpu.dma_semaphore, #tpu.memory_space<semaphore_mem>>) src(%dma_wait3A_160 : memref<77x128xi32, #tpu.memory_space<hbm>>) dst(%arg7 : memref<77x128xi32, #tpu.memory_space<vmem>>)
      tpu.yield
    }) : () -> ()
    %iota3A = tpu.iota {dimensions = array<i32: 0>} : vector<16xi32>
    %rem3A = arith.constant 0 : i32
    %rem3A_3 = arith.constant 5 : i32
    %rem3A_4 = arith.remsi %rem3A, %rem3A_3 : i32
    %dma_start3A = arith.constant 0 : i32
    %dma_start3A_5 = arith.constant 0 : i32
    %dma_start3A_6 = arith.constant 0 : i32
    %dma_start3A_7 = tpu.memref_slice %arg8[%rem3A_4, %dma_start3A_5, %dma_start3A_6] : memref<5x128x128xf32, #tpu.memory_space<vmem>> -> memref<1x128x128xf32, #tpu.memory_space<vmem>>
    %dma_start3A_8 = tpu.memref_squeeze %dma_start3A_7 : memref<1x128x128xf32, #tpu.memory_space<vmem>> -> memref<128x128xf32, #tpu.memory_space<vmem>>
    %dma_start3A_9 = arith.constant 0 : i32
    %dma_start3A_10 = tpu.memref_slice %arg7[%dma_start3A, %dma_start3A_9] : memref<77x128xi32, #tpu.memory_space<vmem>> -> memref<1x128xi32, #tpu.memory_space<vmem>>
    %dma_start3A_11 = tpu.memref_squeeze %dma_start3A_10 : memref<1x128xi32, #tpu.memory_space<vmem>> -> memref<128xi32, #tpu.memory_space<vmem>>
    %dma_start3A_12 = arith.constant 0 : i32
    %dma_start3A_13 = arith.constant 0 : i32
    %dma_start3A_14 = tpu.memref_slice %arg3[%dma_start3A_12, %dma_start3A_13] : memref<1000000x128xf32, #tpu.memory_space<hbm>> -> memref<1000000x128xf32, #tpu.memory_space<hbm>>
    %dma_start3A_15 = tpu.memref_slice %arg10[%rem3A_4] : memref<5x!tpu.dma_semaphore, #tpu.memory_space<semaphore_mem>> -> memref<1x!tpu.dma_semaphore, #tpu.memory_space<semaphore_mem>>
    %dma_start3A_16 = tpu.memref_squeeze %dma_start3A_15 : memref<1x!tpu.dma_semaphore, #tpu.memory_space<semaphore_mem>> -> memref<!tpu.dma_semaphore, #tpu.memory_space<semaphore_mem>>
    tpu.enqueue_indirect_dma source(%dma_start3A_14 : memref<1000000x128xf32, #tpu.memory_space<hbm>>) target(%dma_start3A_8 : memref<128x128xf32, #tpu.memory_space<vmem>>) offsets(%dma_start3A_11 : memref<128xi32, #tpu.memory_space<vmem>>) semaphore(%dma_start3A_16 : memref<!tpu.dma_semaphore, #tpu.memory_space<semaphore_mem>>)
    %rem3A_17 = arith.constant 1 : i32
    %rem3A_18 = arith.constant 5 : i32
    %rem3A_19 = arith.remsi %rem3A_17, %rem3A_18 : i32
    %dma_start3A_20 = arith.constant 1 : i32
    %dma_start3A_21 = arith.constant 0 : i32
    %dma_start3A_22 = arith.constant 0 : i32
    %dma_start3A_23 = tpu.memref_slice %arg8[%rem3A_19, %dma_start3A_21, %dma_start3A_22] : memref<5x128x128xf32, #tpu.memory_space<vmem>> -> memref<1x128x128xf32, #tpu.memory_space<vmem>>
    %dma_start3A_24 = tpu.memref_squeeze %dma_start3A_23 : memref<1x128x128xf32, #tpu.memory_space<vmem>> -> memref<128x128xf32, #tpu.memory_space<vmem>>
    %dma_start3A_25 = arith.constant 0 : i32
    %dma_start3A_26 = tpu.memref_slice %arg7[%dma_start3A_20, %dma_start3A_25] : memref<77x128xi32, #tpu.memory_space<vmem>> -> memref<1x128xi32, #tpu.memory_space<vmem>>
    %dma_start3A_27 = tpu.memref_squeeze %dma_start3A_26 : memref<1x128xi32, #tpu.memory_space<vmem>> -> memref<128xi32, #tpu.memory_space<vmem>>
    %dma_start3A_28 = arith.constant 0 : i32
    %dma_start3A_29 = arith.constant 0 : i32
    %dma_start3A_30 = tpu.memref_slice %arg3[%dma_start3A_28, %dma_start3A_29] : memref<1000000x128xf32, #tpu.memory_space<hbm>> -> memref<1000000x128xf32, #tpu.memory_space<hbm>>
    %dma_start3A_31 = tpu.memref_slice %arg10[%rem3A_19] : memref<5x!tpu.dma_semaphore, #tpu.memory_space<semaphore_mem>> -> memref<1x!tpu.dma_semaphore, #tpu.memory_space<semaphore_mem>>
    %dma_start3A_32 = tpu.memref_squeeze %dma_start3A_31 : memref<1x!tpu.dma_semaphore, #tpu.memory_space<semaphore_mem>> -> memref<!tpu.dma_semaphore, #tpu.memory_space<semaphore_mem>>
    tpu.enqueue_indirect_dma source(%dma_start3A_30 : memref<1000000x128xf32, #tpu.memory_space<hbm>>) target(%dma_start3A_24 : memref<128x128xf32, #tpu.memory_space<vmem>>) offsets(%dma_start3A_27 : memref<128xi32, #tpu.memory_space<vmem>>) semaphore(%dma_start3A_32 : memref<!tpu.dma_semaphore, #tpu.memory_space<semaphore_mem>>)
    %rem3A_33 = arith.constant 2 : i32
    %rem3A_34 = arith.constant 5 : i32
    %rem3A_35 = arith.remsi %rem3A_33, %rem3A_34 : i32
    %dma_start3A_36 = arith.constant 2 : i32
    %dma_start3A_37 = arith.constant 0 : i32
    %dma_start3A_38 = arith.constant 0 : i32
    %dma_start3A_39 = tpu.memref_slice %arg8[%rem3A_35, %dma_start3A_37, %dma_start3A_38] : memref<5x128x128xf32, #tpu.memory_space<vmem>> -> memref<1x128x128xf32, #tpu.memory_space<vmem>>
    %dma_start3A_40 = tpu.memref_squeeze %dma_start3A_39 : memref<1x128x128xf32, #tpu.memory_space<vmem>> -> memref<128x128xf32, #tpu.memory_space<vmem>>
    %dma_start3A_41 = arith.constant 0 : i32
    %dma_start3A_42 = tpu.memref_slice %arg7[%dma_start3A_36, %dma_start3A_41] : memref<77x128xi32, #tpu.memory_space<vmem>> -> memref<1x128xi32, #tpu.memory_space<vmem>>
    %dma_start3A_43 = tpu.memref_squeeze %dma_start3A_42 : memref<1x128xi32, #tpu.memory_space<vmem>> -> memref<128xi32, #tpu.memory_space<vmem>>
    %dma_start3A_44 = arith.constant 0 : i32
    %dma_start3A_45 = arith.constant 0 : i32
    %dma_start3A_46 = tpu.memref_slice %arg3[%dma_start3A_44, %dma_start3A_45] : memref<1000000x128xf32, #tpu.memory_space<hbm>> -> memref<1000000x128xf32, #tpu.memory_space<hbm>>
    %dma_start3A_47 = tpu.memref_slice %arg10[%rem3A_35] : memref<5x!tpu.dma_semaphore, #tpu.memory_space<semaphore_mem>> -> memref<1x!tpu.dma_semaphore, #tpu.memory_space<semaphore_mem>>
    %dma_start3A_48 = tpu.memref_squeeze %dma_start3A_47 : memref<1x!tpu.dma_semaphore, #tpu.memory_space<semaphore_mem>> -> memref<!tpu.dma_semaphore, #tpu.memory_space<semaphore_mem>>
    tpu.enqueue_indirect_dma source(%dma_start3A_46 : memref<1000000x128xf32, #tpu.memory_space<hbm>>) target(%dma_start3A_40 : memref<128x128xf32, #tpu.memory_space<vmem>>) offsets(%dma_start3A_43 : memref<128xi32, #tpu.memory_space<vmem>>) semaphore(%dma_start3A_48 : memref<!tpu.dma_semaphore, #tpu.memory_space<semaphore_mem>>)
    %rem3A_49 = arith.constant 3 : i32
    %rem3A_50 = arith.constant 5 : i32
    %rem3A_51 = arith.remsi %rem3A_49, %rem3A_50 : i32
    %dma_start3A_52 = arith.constant 3 : i32
    %dma_start3A_53 = arith.constant 0 : i32
    %dma_start3A_54 = arith.constant 0 : i32
    %dma_start3A_55 = tpu.memref_slice %arg8[%rem3A_51, %dma_start3A_53, %dma_start3A_54] : memref<5x128x128xf32, #tpu.memory_space<vmem>> -> memref<1x128x128xf32, #tpu.memory_space<vmem>>
    %dma_start3A_56 = tpu.memref_squeeze %dma_start3A_55 : memref<1x128x128xf32, #tpu.memory_space<vmem>> -> memref<128x128xf32, #tpu.memory_space<vmem>>
    %dma_start3A_57 = arith.constant 0 : i32
    %dma_start3A_58 = tpu.memref_slice %arg7[%dma_start3A_52, %dma_start3A_57] : memref<77x128xi32, #tpu.memory_space<vmem>> -> memref<1x128xi32, #tpu.memory_space<vmem>>
    %dma_start3A_59 = tpu.memref_squeeze %dma_start3A_58 : memref<1x128xi32, #tpu.memory_space<vmem>> -> memref<128xi32, #tpu.memory_space<vmem>>
    %dma_start3A_60 = arith.constant 0 : i32
    %dma_start3A_61 = arith.constant 0 : i32
    %dma_start3A_62 = tpu.memref_slice %arg3[%dma_start3A_60, %dma_start3A_61] : memref<1000000x128xf32, #tpu.memory_space<hbm>> -> memref<1000000x128xf32, #tpu.memory_space<hbm>>
    %dma_start3A_63 = tpu.memref_slice %arg10[%rem3A_51] : memref<5x!tpu.dma_semaphore, #tpu.memory_space<semaphore_mem>> -> memref<1x!tpu.dma_semaphore, #tpu.memory_space<semaphore_mem>>
    %dma_start3A_64 = tpu.memref_squeeze %dma_start3A_63 : memref<1x!tpu.dma_semaphore, #tpu.memory_space<semaphore_mem>> -> memref<!tpu.dma_semaphore, #tpu.memory_space<semaphore_mem>>
    tpu.enqueue_indirect_dma source(%dma_start3A_62 : memref<1000000x128xf32, #tpu.memory_space<hbm>>) target(%dma_start3A_56 : memref<128x128xf32, #tpu.memory_space<vmem>>) offsets(%dma_start3A_59 : memref<128xi32, #tpu.memory_space<vmem>>) semaphore(%dma_start3A_64 : memref<!tpu.dma_semaphore, #tpu.memory_space<semaphore_mem>>)
    %add3A_65 = arith.constant 0 : i32
    %add3A_66 = vector.broadcast %add3A_65 : i32 to vector<16xi32>
    %add3A_67 = arith.addi %add3A_66, %iota3A : vector<16xi32>
    %add3A_68 = arith.constant 16 : i32
    %add3A_69 = vector.broadcast %add3A_68 : i32 to vector<16xi32>
    %add3A_70 = arith.addi %add3A_69, %iota3A : vector<16xi32>
    %add3A_71 = arith.constant 32 : i32
    %add3A_72 = vector.broadcast %add3A_71 : i32 to vector<16xi32>
    %add3A_73 = arith.addi %add3A_72, %iota3A : vector<16xi32>
    %add3A_74 = arith.constant 48 : i32
    %add3A_75 = vector.broadcast %add3A_74 : i32 to vector<16xi32>
    %add3A_76 = arith.addi %add3A_75, %iota3A : vector<16xi32>
    %add3A_77 = arith.constant 64 : i32
    %add3A_78 = vector.broadcast %add3A_77 : i32 to vector<16xi32>
    %add3A_79 = arith.addi %add3A_78, %iota3A : vector<16xi32>
    %add3A_80 = arith.constant 80 : i32
    %add3A_81 = vector.broadcast %add3A_80 : i32 to vector<16xi32>
    %add3A_82 = arith.addi %add3A_81, %iota3A : vector<16xi32>
    %add3A_83 = arith.constant 96 : i32
    %add3A_84 = vector.broadcast %add3A_83 : i32 to vector<16xi32>
    %add3A_85 = arith.addi %add3A_84, %iota3A : vector<16xi32>
    %add3A_86 = arith.constant 112 : i32
    %add3A_87 = vector.broadcast %add3A_86 : i32 to vector<16xi32>
    %add3A_88 = arith.addi %add3A_87, %iota3A : vector<16xi32>
    %scan3A = arith.constant 0 : i32
    %scan3A_89 = arith.constant 0 : i32
    %scan3A_90 = arith.constant 77 : i32
    %scan3A_91 = arith.addi %scan3A_89, %scan3A_90 : i32
    %scan3A_92 = arith.constant 1 : i32
    scf.for %scan3A_153 = %scan3A_89 to %scan3A_91 step %scan3A_92  : i32 {
      %add3A_154 = arith.constant 5 : i32
      %add3A_155 = arith.addi %scan3A_153, %add3A_154 : i32
      %sub3A = arith.constant 1 : i32
      %sub3A_156 = arith.subi %add3A_155, %sub3A : i32
      %lt3A = arith.constant 77 : i32
      %lt3A_157 = arith.cmpi slt, %sub3A_156, %lt3A : i32
      %convert_element_type3A = arith.extui %lt3A_157 : i1 to i32
      %cond3A = arith.constant 0 : i32
      %cond3A_158 = arith.cmpi ne, %convert_element_type3A, %cond3A : i32
      scf.if %cond3A_158 {
        %add3A_232 = arith.constant 5 : i32
        %add3A_233 = arith.addi %scan3A_153, %add3A_232 : i32
        %sub3A_234 = arith.constant 1 : i32
        %sub3A_235 = arith.subi %add3A_233, %sub3A_234 : i32
        %rem3A_236 = arith.constant 5 : i32
        %rem3A_237 = arith.remsi %sub3A_235, %rem3A_236 : i32
        %dma_start3A_238 = arith.constant 0 : i32
        %dma_start3A_239 = arith.constant 0 : i32
        %dma_start3A_240 = tpu.memref_slice %arg8[%rem3A_237, %dma_start3A_238, %dma_start3A_239] : memref<5x128x128xf32, #tpu.memory_space<vmem>> -> memref<1x128x128xf32, #tpu.memory_space<vmem>>
        %dma_start3A_241 = tpu.memref_squeeze %dma_start3A_240 : memref<1x128x128xf32, #tpu.memory_space<vmem>> -> memref<128x128xf32, #tpu.memory_space<vmem>>
        %dma_start3A_242 = arith.constant 0 : i32
        %dma_start3A_243 = tpu.memref_slice %arg7[%sub3A_235, %dma_start3A_242] : memref<77x128xi32, #tpu.memory_space<vmem>> -> memref<1x128xi32, #tpu.memory_space<vmem>>
        %dma_start3A_244 = tpu.memref_squeeze %dma_start3A_243 : memref<1x128xi32, #tpu.memory_space<vmem>> -> memref<128xi32, #tpu.memory_space<vmem>>
        %dma_start3A_245 = arith.constant 0 : i32
        %dma_start3A_246 = arith.constant 0 : i32
        %dma_start3A_247 = tpu.memref_slice %arg3[%dma_start3A_245, %dma_start3A_246] : memref<1000000x128xf32, #tpu.memory_space<hbm>> -> memref<1000000x128xf32, #tpu.memory_space<hbm>>
        %dma_start3A_248 = tpu.memref_slice %arg10[%rem3A_237] : memref<5x!tpu.dma_semaphore, #tpu.memory_space<semaphore_mem>> -> memref<1x!tpu.dma_semaphore, #tpu.memory_space<semaphore_mem>>
        %dma_start3A_249 = tpu.memref_squeeze %dma_start3A_248 : memref<1x!tpu.dma_semaphore, #tpu.memory_space<semaphore_mem>> -> memref<!tpu.dma_semaphore, #tpu.memory_space<semaphore_mem>>
        tpu.enqueue_indirect_dma source(%dma_start3A_247 : memref<1000000x128xf32, #tpu.memory_space<hbm>>) target(%dma_start3A_241 : memref<128x128xf32, #tpu.memory_space<vmem>>) offsets(%dma_start3A_244 : memref<128xi32, #tpu.memory_space<vmem>>) semaphore(%dma_start3A_249 : memref<!tpu.dma_semaphore, #tpu.memory_space<semaphore_mem>>)
      } else {
      }
      %rem3A_159 = arith.constant 5 : i32
      %rem3A_160 = arith.remsi %scan3A_153, %rem3A_159 : i32
      %dma_wait3A_161 = arith.constant 0 : i32
      %dma_wait3A_162 = arith.constant 0 : i32
      %dma_wait3A_163 = tpu.memref_slice %arg8[%rem3A_160, %dma_wait3A_161, %dma_wait3A_162] : memref<5x128x128xf32, #tpu.memory_space<vmem>> -> memref<1x128x128xf32, #tpu.memory_space<vmem>>
      %dma_wait3A_164 = tpu.memref_squeeze %dma_wait3A_163 : memref<1x128x128xf32, #tpu.memory_space<vmem>> -> memref<128x128xf32, #tpu.memory_space<vmem>>
      %dma_wait3A_165 = arith.constant 0 : i32
      %dma_wait3A_166 = tpu.memref_slice %arg7[%scan3A_153, %dma_wait3A_165] : memref<77x128xi32, #tpu.memory_space<vmem>> -> memref<1x128xi32, #tpu.memory_space<vmem>>
      %dma_wait3A_167 = tpu.memref_squeeze %dma_wait3A_166 : memref<1x128xi32, #tpu.memory_space<vmem>> -> memref<128xi32, #tpu.memory_space<vmem>>
      %dma_wait3A_168 = arith.constant 0 : i32
      %dma_wait3A_169 = arith.constant 0 : i32
      %dma_wait3A_170 = tpu.memref_slice %arg3[%dma_wait3A_168, %dma_wait3A_169] : memref<1000000x128xf32, #tpu.memory_space<hbm>> -> memref<1000000x128xf32, #tpu.memory_space<hbm>>
      %dma_wait3A_171 = tpu.memref_slice %arg10[%rem3A_160] : memref<5x!tpu.dma_semaphore, #tpu.memory_space<semaphore_mem>> -> memref<1x!tpu.dma_semaphore, #tpu.memory_space<semaphore_mem>>
      %dma_wait3A_172 = tpu.memref_squeeze %dma_wait3A_171 : memref<1x!tpu.dma_semaphore, #tpu.memory_space<semaphore_mem>> -> memref<!tpu.dma_semaphore, #tpu.memory_space<semaphore_mem>>
      tpu.wait_indirect_dma semaphore(%dma_wait3A_172 : memref<!tpu.dma_semaphore, #tpu.memory_space<semaphore_mem>>) src(%dma_wait3A_170 : memref<1000000x128xf32, #tpu.memory_space<hbm>>) dst(%dma_wait3A_164 : memref<128x128xf32, #tpu.memory_space<vmem>>)
      %ge3A = arith.constant 3 : i32
      %ge3A_173 = arith.cmpi sge, %scan3A_153, %ge3A : i32
      %convert_element_type3A_174 = arith.extui %ge3A_173 : i1 to i32
      %cond3A_175 = arith.constant 0 : i32
      %cond3A_176 = arith.cmpi ne, %convert_element_type3A_174, %cond3A_175 : i32
      scf.if %cond3A_176 {
        %sub3A_232 = arith.constant 3 : i32
        %sub3A_233 = arith.subi %scan3A_153, %sub3A_232 : i32
        %rem3A_234 = arith.constant 3 : i32
        %rem3A_235 = arith.remsi %sub3A_233, %rem3A_234 : i32
        %dma_wait3A_236 = arith.constant 0 : i32
        %dma_wait3A_237 = arith.constant 0 : i32
        %dma_wait3A_238 = tpu.memref_slice %arg9[%rem3A_235, %dma_wait3A_236, %dma_wait3A_237] : memref<3x64x128xf32, #tpu.memory_space<vmem>> -> memref<1x64x128xf32, #tpu.memory_space<vmem>>
        %dma_wait3A_239 = tpu.memref_squeeze %dma_wait3A_238 : memref<1x64x128xf32, #tpu.memory_space<vmem>> -> memref<64x128xf32, #tpu.memory_space<vmem>>
        %dma_wait3A_240 = arith.constant 0 : i32
        %dma_wait3A_241 = tpu.memref_slice %arg5[%sub3A_233, %dma_wait3A_240, %mul3A_2] : memref<77x64x4096xf32, #tpu.memory_space<hbm>> -> memref<1x64x128xf32, #tpu.memory_space<hbm>>
        %dma_wait3A_242 = tpu.memref_squeeze %dma_wait3A_241 : memref<1x64x128xf32, #tpu.memory_space<hbm>> -> memref<64x128xf32, #tpu.memory_space<hbm>>
        %dma_wait3A_243 = tpu.memref_slice %arg11[%rem3A_235] : memref<3x!tpu.dma_semaphore, #tpu.memory_space<semaphore_mem>> -> memref<1x!tpu.dma_semaphore, #tpu.memory_space<semaphore_mem>>
        %dma_wait3A_244 = tpu.memref_squeeze %dma_wait3A_243 : memref<1x!tpu.dma_semaphore, #tpu.memory_space<semaphore_mem>> -> memref<!tpu.dma_semaphore, #tpu.memory_space<semaphore_mem>>
        %dma_wait3A_245 = arith.constant 0 : i32
        %dma_wait3A_246 = tpu.memref_slice %arg5[%sub3A_233, %dma_wait3A_245, %mul3A_2] : memref<77x64x4096xf32, #tpu.memory_space<hbm>> -> memref<1x64x128xf32, #tpu.memory_space<hbm>>
        %dma_wait3A_247 = tpu.memref_squeeze %dma_wait3A_246 : memref<1x64x128xf32, #tpu.memory_space<hbm>> -> memref<64x128xf32, #tpu.memory_space<hbm>>
        %dma_wait3A_248 = arith.constant 0 : i32
        %dma_wait3A_249 = arith.constant 0 : i32
        %dma_wait3A_250 = tpu.memref_slice %arg9[%rem3A_235, %dma_wait3A_248, %dma_wait3A_249] : memref<3x64x128xf32, #tpu.memory_space<vmem>> -> memref<1x64x128xf32, #tpu.memory_space<vmem>>
        %dma_wait3A_251 = tpu.memref_squeeze %dma_wait3A_250 : memref<1x64x128xf32, #tpu.memory_space<vmem>> -> memref<64x128xf32, #tpu.memory_space<vmem>>
        tpu.wait_dma2 semaphore(%dma_wait3A_244 : memref<!tpu.dma_semaphore, #tpu.memory_space<semaphore_mem>>) src(%dma_wait3A_251 : memref<64x128xf32, #tpu.memory_space<vmem>>) dst(%dma_wait3A_247 : memref<64x128xf32, #tpu.memory_space<hbm>>)
      } else {
      }
      %rem3A_177 = arith.constant 5 : i32
      %rem3A_178 = arith.remsi %scan3A_153, %rem3A_177 : i32
      %rem3A_179 = arith.constant 3 : i32
      %rem3A_180 = arith.remsi %scan3A_153, %rem3A_179 : i32
      %broadcast_in_dim3A = vector.broadcast %scan3A_153 : i32 to vector<16xi32>
      %add3A_181 = arith.constant 0 : i32
      %add3A_182 = vector.broadcast %add3A_181 : i32 to vector<16xi32>
      %add3A_183 = arith.addi %add3A_182, %iota3A : vector<16xi32>
      %gather3A = tpu.vector_load_idx %arg6[%add3A_183, %broadcast_in_dim3A] : memref<64x128xf32, #tpu.memory_space<vmem>>[vector<16xi32>, vector<16xi32>], vector<16xf32>,
      %add3A_184 = arith.constant 16 : i32
      %add3A_185 = vector.broadcast %add3A_184 : i32 to vector<16xi32>
      %add3A_186 = arith.addi %add3A_185, %iota3A : vector<16xi32>
      %gather3A_187 = tpu.vector_load_idx %arg6[%add3A_186, %broadcast_in_dim3A] : memref<64x128xf32, #tpu.memory_space<vmem>>[vector<16xi32>, vector<16xi32>], vector<16xf32>,
      %add3A_188 = arith.constant 32 : i32
      %add3A_189 = vector.broadcast %add3A_188 : i32 to vector<16xi32>
      %add3A_190 = arith.addi %add3A_189, %iota3A : vector<16xi32>
      %gather3A_191 = tpu.vector_load_idx %arg6[%add3A_190, %broadcast_in_dim3A] : memref<64x128xf32, #tpu.memory_space<vmem>>[vector<16xi32>, vector<16xi32>], vector<16xf32>,
      %add3A_192 = arith.constant 48 : i32
      %add3A_193 = vector.broadcast %add3A_192 : i32 to vector<16xi32>
      %add3A_194 = arith.addi %add3A_193, %iota3A : vector<16xi32>
      %gather3A_195 = tpu.vector_load_idx %arg6[%add3A_194, %broadcast_in_dim3A] : memref<64x128xf32, #tpu.memory_space<vmem>>[vector<16xi32>, vector<16xi32>], vector<16xf32>,
      %add3A_196 = arith.constant 0 : i32
      %add3A_197 = vector.broadcast %add3A_196 : i32 to vector<16xi32>
      %add3A_198 = arith.addi %add3A_197, %iota3A : vector<16xi32>
      %add3A_199 = arith.constant 16 : i32
      %add3A_200 = vector.broadcast %add3A_199 : i32 to vector<16xi32>
      %add3A_201 = arith.addi %add3A_200, %iota3A : vector<16xi32>
      %add3A_202 = arith.constant 32 : i32
      %add3A_203 = vector.broadcast %add3A_202 : i32 to vector<16xi32>
      %add3A_204 = arith.addi %add3A_203, %iota3A : vector<16xi32>
      %add3A_205 = arith.constant 48 : i32
      %add3A_206 = vector.broadcast %add3A_205 : i32 to vector<16xi32>
      %add3A_207 = arith.addi %add3A_206, %iota3A : vector<16xi32>
      %scan3A_208 = arith.constant 0 : i32
      %scan3A_209 = arith.constant 0 : i32
      %scan3A_210 = arith.constant 16 : i32
      %scan3A_211 = arith.addi %scan3A_209, %scan3A_210 : i32
      %scan3A_212 = arith.constant 1 : i32
      scf.for %scan3A_232 = %scan3A_209 to %scan3A_211 step %scan3A_212  : i32 {
        %mul3A_233 = arith.constant 8 : i32
        %mul3A_234 = arith.muli %scan3A_232, %mul3A_233 : i32
        %add3A_235 = arith.constant 0 : i32
        %add3A_236 = arith.addi %mul3A_234, %add3A_235 : i32
        %broadcast_in_dim3A_237 = vector.broadcast %add3A_236 : i32 to vector<16xi32>
        %add3A_238 = arith.constant 1 : i32
        %add3A_239 = arith.addi %mul3A_234, %add3A_238 : i32
        %broadcast_in_dim3A_240 = vector.broadcast %add3A_239 : i32 to vector<16xi32>
        %add3A_241 = arith.constant 2 : i32
        %add3A_242 = arith.addi %mul3A_234, %add3A_241 : i32
        %broadcast_in_dim3A_243 = vector.broadcast %add3A_242 : i32 to vector<16xi32>
        %add3A_244 = arith.constant 3 : i32
        %add3A_245 = arith.addi %mul3A_234, %add3A_244 : i32
        %broadcast_in_dim3A_246 = vector.broadcast %add3A_245 : i32 to vector<16xi32>
        %add3A_247 = arith.constant 4 : i32
        %add3A_248 = arith.addi %mul3A_234, %add3A_247 : i32
        %broadcast_in_dim3A_249 = vector.broadcast %add3A_248 : i32 to vector<16xi32>
        %add3A_250 = arith.constant 5 : i32
        %add3A_251 = arith.addi %mul3A_234, %add3A_250 : i32
        %broadcast_in_dim3A_252 = vector.broadcast %add3A_251 : i32 to vector<16xi32>
        %add3A_253 = arith.constant 6 : i32
        %add3A_254 = arith.addi %mul3A_234, %add3A_253 : i32
        %broadcast_in_dim3A_255 = vector.broadcast %add3A_254 : i32 to vector<16xi32>
        %add3A_256 = arith.constant 7 : i32
        %add3A_257 = arith.addi %mul3A_234, %add3A_256 : i32
        %broadcast_in_dim3A_258 = vector.broadcast %add3A_257 : i32 to vector<16xi32>
        %add3A_259 = arith.constant 0 : i32
        %add3A_260 = arith.addi %mul3A_234, %add3A_259 : i32
        %get3A = arith.index_cast %rem3A_178 : i32 to index
        %get3A_261 = arith.index_cast %add3A_260 : i32 to index
        %get3A_262 = arith.constant 0 : index
        %get3A_263 = tpu.vector_load %arg8[%get3A, %get3A_261, %get3A_262] {strides = array<i32>} : memref<5x128x128xf32, #tpu.memory_space<vmem>>, vector<16xf32>,
        %add3A_264 = arith.constant 0 : i32
        %add3A_265 = arith.addi %mul3A_234, %add3A_264 : i32
        %get3A_266 = arith.index_cast %rem3A_178 : i32 to index
        %get3A_267 = arith.index_cast %add3A_265 : i32 to index
        %get3A_268 = arith.constant 16 : index
        %get3A_269 = tpu.vector_load %arg8[%get3A_266, %get3A_267, %get3A_268] {strides = array<i32>} : memref<5x128x128xf32, #tpu.memory_space<vmem>>, vector<16xf32>,
        %add3A_270 = arith.constant 0 : i32
        %add3A_271 = arith.addi %mul3A_234, %add3A_270 : i32
        %get3A_272 = arith.index_cast %rem3A_178 : i32 to index
        %get3A_273 = arith.index_cast %add3A_271 : i32 to index
        %get3A_274 = arith.constant 32 : index
        %get3A_275 = tpu.vector_load %arg8[%get3A_272, %get3A_273, %get3A_274] {strides = array<i32>} : memref<5x128x128xf32, #tpu.memory_space<vmem>>, vector<16xf32>,
        %add3A_276 = arith.constant 0 : i32
        %add3A_277 = arith.addi %mul3A_234, %add3A_276 : i32
        %get3A_278 = arith.index_cast %rem3A_178 : i32 to index
        %get3A_279 = arith.index_cast %add3A_277 : i32 to index
        %get3A_280 = arith.constant 48 : index
        %get3A_281 = tpu.vector_load %arg8[%get3A_278, %get3A_279, %get3A_280] {strides = array<i32>} : memref<5x128x128xf32, #tpu.memory_space<vmem>>, vector<16xf32>,
        %add3A_282 = arith.constant 1 : i32
        %add3A_283 = arith.addi %mul3A_234, %add3A_282 : i32
        %get3A_284 = arith.index_cast %rem3A_178 : i32 to index
        %get3A_285 = arith.index_cast %add3A_283 : i32 to index
        %get3A_286 = arith.constant 0 : index
        %get3A_287 = tpu.vector_load %arg8[%get3A_284, %get3A_285, %get3A_286] {strides = array<i32>} : memref<5x128x128xf32, #tpu.memory_space<vmem>>, vector<16xf32>,
        %add3A_288 = arith.constant 1 : i32
        %add3A_289 = arith.addi %mul3A_234, %add3A_288 : i32
        %get3A_290 = arith.index_cast %rem3A_178 : i32 to index
        %get3A_291 = arith.index_cast %add3A_289 : i32 to index
        %get3A_292 = arith.constant 16 : index
        %get3A_293 = tpu.vector_load %arg8[%get3A_290, %get3A_291, %get3A_292] {strides = array<i32>} : memref<5x128x128xf32, #tpu.memory_space<vmem>>, vector<16xf32>,
        %add3A_294 = arith.constant 1 : i32
        %add3A_295 = arith.addi %mul3A_234, %add3A_294 : i32
        %get3A_296 = arith.index_cast %rem3A_178 : i32 to index
        %get3A_297 = arith.index_cast %add3A_295 : i32 to index
        %get3A_298 = arith.constant 32 : index
        %get3A_299 = tpu.vector_load %arg8[%get3A_296, %get3A_297, %get3A_298] {strides = array<i32>} : memref<5x128x128xf32, #tpu.memory_space<vmem>>, vector<16xf32>,
        %add3A_300 = arith.constant 1 : i32
        %add3A_301 = arith.addi %mul3A_234, %add3A_300 : i32
        %get3A_302 = arith.index_cast %rem3A_178 : i32 to index
        %get3A_303 = arith.index_cast %add3A_301 : i32 to index
        %get3A_304 = arith.constant 48 : index
        %get3A_305 = tpu.vector_load %arg8[%get3A_302, %get3A_303, %get3A_304] {strides = array<i32>} : memref<5x128x128xf32, #tpu.memory_space<vmem>>, vector<16xf32>,
        %add3A_306 = arith.constant 2 : i32
        %add3A_307 = arith.addi %mul3A_234, %add3A_306 : i32
        %get3A_308 = arith.index_cast %rem3A_178 : i32 to index
        %get3A_309 = arith.index_cast %add3A_307 : i32 to index
        %get3A_310 = arith.constant 0 : index
        %get3A_311 = tpu.vector_load %arg8[%get3A_308, %get3A_309, %get3A_310] {strides = array<i32>} : memref<5x128x128xf32, #tpu.memory_space<vmem>>, vector<16xf32>,
        %add3A_312 = arith.constant 2 : i32
        %add3A_313 = arith.addi %mul3A_234, %add3A_312 : i32
        %get3A_314 = arith.index_cast %rem3A_178 : i32 to index
        %get3A_315 = arith.index_cast %add3A_313 : i32 to index
        %get3A_316 = arith.constant 16 : index
        %get3A_317 = tpu.vector_load %arg8[%get3A_314, %get3A_315, %get3A_316] {strides = array<i32>} : memref<5x128x128xf32, #tpu.memory_space<vmem>>, vector<16xf32>,
        %add3A_318 = arith.constant 2 : i32
        %add3A_319 = arith.addi %mul3A_234, %add3A_318 : i32
        %get3A_320 = arith.index_cast %rem3A_178 : i32 to index
        %get3A_321 = arith.index_cast %add3A_319 : i32 to index
        %get3A_322 = arith.constant 32 : index
        %get3A_323 = tpu.vector_load %arg8[%get3A_320, %get3A_321, %get3A_322] {strides = array<i32>} : memref<5x128x128xf32, #tpu.memory_space<vmem>>, vector<16xf32>,
        %add3A_324 = arith.constant 2 : i32
        %add3A_325 = arith.addi %mul3A_234, %add3A_324 : i32
        %get3A_326 = arith.index_cast %rem3A_178 : i32 to index
        %get3A_327 = arith.index_cast %add3A_325 : i32 to index
        %get3A_328 = arith.constant 48 : index
        %get3A_329 = tpu.vector_load %arg8[%get3A_326, %get3A_327, %get3A_328] {strides = array<i32>} : memref<5x128x128xf32, #tpu.memory_space<vmem>>, vector<16xf32>,
        %add3A_330 = arith.constant 3 : i32
        %add3A_331 = arith.addi %mul3A_234, %add3A_330 : i32
        %get3A_332 = arith.index_cast %rem3A_178 : i32 to index
        %get3A_333 = arith.index_cast %add3A_331 : i32 to index
        %get3A_334 = arith.constant 0 : index
        %get3A_335 = tpu.vector_load %arg8[%get3A_332, %get3A_333, %get3A_334] {strides = array<i32>} : memref<5x128x128xf32, #tpu.memory_space<vmem>>, vector<16xf32>,
        %add3A_336 = arith.constant 3 : i32
        %add3A_337 = arith.addi %mul3A_234, %add3A_336 : i32
        %get3A_338 = arith.index_cast %rem3A_178 : i32 to index
        %get3A_339 = arith.index_cast %add3A_337 : i32 to index
        %get3A_340 = arith.constant 16 : index
        %get3A_341 = tpu.vector_load %arg8[%get3A_338, %get3A_339, %get3A_340] {strides = array<i32>} : memref<5x128x128xf32, #tpu.memory_space<vmem>>, vector<16xf32>,
        %add3A_342 = arith.constant 3 : i32
        %add3A_343 = arith.addi %mul3A_234, %add3A_342 : i32
        %get3A_344 = arith.index_cast %rem3A_178 : i32 to index
        %get3A_345 = arith.index_cast %add3A_343 : i32 to index
        %get3A_346 = arith.constant 32 : index
        %get3A_347 = tpu.vector_load %arg8[%get3A_344, %get3A_345, %get3A_346] {strides = array<i32>} : memref<5x128x128xf32, #tpu.memory_space<vmem>>, vector<16xf32>,
        %add3A_348 = arith.constant 3 : i32
        %add3A_349 = arith.addi %mul3A_234, %add3A_348 : i32
        %get3A_350 = arith.index_cast %rem3A_178 : i32 to index
        %get3A_351 = arith.index_cast %add3A_349 : i32 to index
        %get3A_352 = arith.constant 48 : index
        %get3A_353 = tpu.vector_load %arg8[%get3A_350, %get3A_351, %get3A_352] {strides = array<i32>} : memref<5x128x128xf32, #tpu.memory_space<vmem>>, vector<16xf32>,
        %add3A_354 = arith.constant 4 : i32
        %add3A_355 = arith.addi %mul3A_234, %add3A_354 : i32
        %get3A_356 = arith.index_cast %rem3A_178 : i32 to index
        %get3A_357 = arith.index_cast %add3A_355 : i32 to index
        %get3A_358 = arith.constant 0 : index
        %get3A_359 = tpu.vector_load %arg8[%get3A_356, %get3A_357, %get3A_358] {strides = array<i32>} : memref<5x128x128xf32, #tpu.memory_space<vmem>>, vector<16xf32>,
        %add3A_360 = arith.constant 4 : i32
        %add3A_361 = arith.addi %mul3A_234, %add3A_360 : i32
        %get3A_362 = arith.index_cast %rem3A_178 : i32 to index
        %get3A_363 = arith.index_cast %add3A_361 : i32 to index
        %get3A_364 = arith.constant 16 : index
        %get3A_365 = tpu.vector_load %arg8[%get3A_362, %get3A_363, %get3A_364] {strides = array<i32>} : memref<5x128x128xf32, #tpu.memory_space<vmem>>, vector<16xf32>,
        %add3A_366 = arith.constant 4 : i32
        %add3A_367 = arith.addi %mul3A_234, %add3A_366 : i32
        %get3A_368 = arith.index_cast %rem3A_178 : i32 to index
        %get3A_369 = arith.index_cast %add3A_367 : i32 to index
        %get3A_370 = arith.constant 32 : index
        %get3A_371 = tpu.vector_load %arg8[%get3A_368, %get3A_369, %get3A_370] {strides = array<i32>} : memref<5x128x128xf32, #tpu.memory_space<vmem>>, vector<16xf32>,
        %add3A_372 = arith.constant 4 : i32
        %add3A_373 = arith.addi %mul3A_234, %add3A_372 : i32
        %get3A_374 = arith.index_cast %rem3A_178 : i32 to index
        %get3A_375 = arith.index_cast %add3A_373 : i32 to index
        %get3A_376 = arith.constant 48 : index
        %get3A_377 = tpu.vector_load %arg8[%get3A_374, %get3A_375, %get3A_376] {strides = array<i32>} : memref<5x128x128xf32, #tpu.memory_space<vmem>>, vector<16xf32>,
        %add3A_378 = arith.constant 5 : i32
        %add3A_379 = arith.addi %mul3A_234, %add3A_378 : i32
        %get3A_380 = arith.index_cast %rem3A_178 : i32 to index
        %get3A_381 = arith.index_cast %add3A_379 : i32 to index
        %get3A_382 = arith.constant 0 : index
        %get3A_383 = tpu.vector_load %arg8[%get3A_380, %get3A_381, %get3A_382] {strides = array<i32>} : memref<5x128x128xf32, #tpu.memory_space<vmem>>, vector<16xf32>,
        %add3A_384 = arith.constant 5 : i32
        %add3A_385 = arith.addi %mul3A_234, %add3A_384 : i32
        %get3A_386 = arith.index_cast %rem3A_178 : i32 to index
        %get3A_387 = arith.index_cast %add3A_385 : i32 to index
        %get3A_388 = arith.constant 16 : index
        %get3A_389 = tpu.vector_load %arg8[%get3A_386, %get3A_387, %get3A_388] {strides = array<i32>} : memref<5x128x128xf32, #tpu.memory_space<vmem>>, vector<16xf32>,
        %add3A_390 = arith.constant 5 : i32
        %add3A_391 = arith.addi %mul3A_234, %add3A_390 : i32
        %get3A_392 = arith.index_cast %rem3A_178 : i32 to index
        %get3A_393 = arith.index_cast %add3A_391 : i32 to index
        %get3A_394 = arith.constant 32 : index
        %get3A_395 = tpu.vector_load %arg8[%get3A_392, %get3A_393, %get3A_394] {strides = array<i32>} : memref<5x128x128xf32, #tpu.memory_space<vmem>>, vector<16xf32>,
        %add3A_396 = arith.constant 5 : i32
        %add3A_397 = arith.addi %mul3A_234, %add3A_396 : i32
        %get3A_398 = arith.index_cast %rem3A_178 : i32 to index
        %get3A_399 = arith.index_cast %add3A_397 : i32 to index
        %get3A_400 = arith.constant 48 : index
        %get3A_401 = tpu.vector_load %arg8[%get3A_398, %get3A_399, %get3A_400] {strides = array<i32>} : memref<5x128x128xf32, #tpu.memory_space<vmem>>, vector<16xf32>,
        %add3A_402 = arith.constant 6 : i32
        %add3A_403 = arith.addi %mul3A_234, %add3A_402 : i32
        %get3A_404 = arith.index_cast %rem3A_178 : i32 to index
        %get3A_405 = arith.index_cast %add3A_403 : i32 to index
        %get3A_406 = arith.constant 0 : index
        %get3A_407 = tpu.vector_load %arg8[%get3A_404, %get3A_405, %get3A_406] {strides = array<i32>} : memref<5x128x128xf32, #tpu.memory_space<vmem>>, vector<16xf32>,
        %add3A_408 = arith.constant 6 : i32
        %add3A_409 = arith.addi %mul3A_234, %add3A_408 : i32
        %get3A_410 = arith.index_cast %rem3A_178 : i32 to index
        %get3A_411 = arith.index_cast %add3A_409 : i32 to index
        %get3A_412 = arith.constant 16 : index
        %get3A_413 = tpu.vector_load %arg8[%get3A_410, %get3A_411, %get3A_412] {strides = array<i32>} : memref<5x128x128xf32, #tpu.memory_space<vmem>>, vector<16xf32>,
        %add3A_414 = arith.constant 6 : i32
        %add3A_415 = arith.addi %mul3A_234, %add3A_414 : i32
        %get3A_416 = arith.index_cast %rem3A_178 : i32 to index
        %get3A_417 = arith.index_cast %add3A_415 : i32 to index
        %get3A_418 = arith.constant 32 : index
        %get3A_419 = tpu.vector_load %arg8[%get3A_416, %get3A_417, %get3A_418] {strides = array<i32>} : memref<5x128x128xf32, #tpu.memory_space<vmem>>, vector<16xf32>,
        %add3A_420 = arith.constant 6 : i32
        %add3A_421 = arith.addi %mul3A_234, %add3A_420 : i32
        %get3A_422 = arith.index_cast %rem3A_178 : i32 to index
        %get3A_423 = arith.index_cast %add3A_421 : i32 to index
        %get3A_424 = arith.constant 48 : index
        %get3A_425 = tpu.vector_load %arg8[%get3A_422, %get3A_423, %get3A_424] {strides = array<i32>} : memref<5x128x128xf32, #tpu.memory_space<vmem>>, vector<16xf32>,
        %add3A_426 = arith.constant 7 : i32
        %add3A_427 = arith.addi %mul3A_234, %add3A_426 : i32
        %get3A_428 = arith.index_cast %rem3A_178 : i32 to index
        %get3A_429 = arith.index_cast %add3A_427 : i32 to index
        %get3A_430 = arith.constant 0 : index
        %get3A_431 = tpu.vector_load %arg8[%get3A_428, %get3A_429, %get3A_430] {strides = array<i32>} : memref<5x128x128xf32, #tpu.memory_space<vmem>>, vector<16xf32>,
        %add3A_432 = arith.constant 7 : i32
        %add3A_433 = arith.addi %mul3A_234, %add3A_432 : i32
        %get3A_434 = arith.index_cast %rem3A_178 : i32 to index
        %get3A_435 = arith.index_cast %add3A_433 : i32 to index
        %get3A_436 = arith.constant 16 : index
        %get3A_437 = tpu.vector_load %arg8[%get3A_434, %get3A_435, %get3A_436] {strides = array<i32>} : memref<5x128x128xf32, #tpu.memory_space<vmem>>, vector<16xf32>,
        %add3A_438 = arith.constant 7 : i32
        %add3A_439 = arith.addi %mul3A_234, %add3A_438 : i32
        %get3A_440 = arith.index_cast %rem3A_178 : i32 to index
        %get3A_441 = arith.index_cast %add3A_439 : i32 to index
        %get3A_442 = arith.constant 32 : index
        %get3A_443 = tpu.vector_load %arg8[%get3A_440, %get3A_441, %get3A_442] {strides = array<i32>} : memref<5x128x128xf32, #tpu.memory_space<vmem>>, vector<16xf32>,
        %add3A_444 = arith.constant 7 : i32
        %add3A_445 = arith.addi %mul3A_234, %add3A_444 : i32
        %get3A_446 = arith.index_cast %rem3A_178 : i32 to index
        %get3A_447 = arith.index_cast %add3A_445 : i32 to index
        %get3A_448 = arith.constant 48 : index
        %get3A_449 = tpu.vector_load %arg8[%get3A_446, %get3A_447, %get3A_448] {strides = array<i32>} : memref<5x128x128xf32, #tpu.memory_space<vmem>>, vector<16xf32>,
        %add3A_450 = arith.addf %get3A_263, %gather3A : vector<16xf32>
        %add3A_451 = arith.addf %get3A_269, %gather3A_187 : vector<16xf32>
        %add3A_452 = arith.addf %get3A_275, %gather3A_191 : vector<16xf32>
        %add3A_453 = arith.addf %get3A_281, %gather3A_195 : vector<16xf32>
        %add3A_454 = arith.addf %get3A_287, %gather3A : vector<16xf32>
        %add3A_455 = arith.addf %get3A_293, %gather3A_187 : vector<16xf32>
        %add3A_456 = arith.addf %get3A_299, %gather3A_191 : vector<16xf32>
        %add3A_457 = arith.addf %get3A_305, %gather3A_195 : vector<16xf32>
        %add3A_458 = arith.addf %get3A_311, %gather3A : vector<16xf32>
        %add3A_459 = arith.addf %get3A_317, %gather3A_187 : vector<16xf32>
        %add3A_460 = arith.addf %get3A_323, %gather3A_191 : vector<16xf32>
        %add3A_461 = arith.addf %get3A_329, %gather3A_195 : vector<16xf32>
        %add3A_462 = arith.addf %get3A_335, %gather3A : vector<16xf32>
        %add3A_463 = arith.addf %get3A_341, %gather3A_187 : vector<16xf32>
        %add3A_464 = arith.addf %get3A_347, %gather3A_191 : vector<16xf32>
        %add3A_465 = arith.addf %get3A_353, %gather3A_195 : vector<16xf32>
        %add3A_466 = arith.addf %get3A_359, %gather3A : vector<16xf32>
        %add3A_467 = arith.addf %get3A_365, %gather3A_187 : vector<16xf32>
        %add3A_468 = arith.addf %get3A_371, %gather3A_191 : vector<16xf32>
        %add3A_469 = arith.addf %get3A_377, %gather3A_195 : vector<16xf32>
        %add3A_470 = arith.addf %get3A_383, %gather3A : vector<16xf32>
        %add3A_471 = arith.addf %get3A_389, %gather3A_187 : vector<16xf32>
        %add3A_472 = arith.addf %get3A_395, %gather3A_191 : vector<16xf32>
        %add3A_473 = arith.addf %get3A_401, %gather3A_195 : vector<16xf32>
        %add3A_474 = arith.addf %get3A_407, %gather3A : vector<16xf32>
        %add3A_475 = arith.addf %get3A_413, %gather3A_187 : vector<16xf32>
        %add3A_476 = arith.addf %get3A_419, %gather3A_191 : vector<16xf32>
        %add3A_477 = arith.addf %get3A_425, %gather3A_195 : vector<16xf32>
        %add3A_478 = arith.addf %get3A_431, %gather3A : vector<16xf32>
        %add3A_479 = arith.addf %get3A_437, %gather3A_187 : vector<16xf32>
        %add3A_480 = arith.addf %get3A_443, %gather3A_191 : vector<16xf32>
        %add3A_481 = arith.addf %get3A_449, %gather3A_195 : vector<16xf32>
        %scatter3A = arith.constant 0 : i32
        %scatter3A_482 = arith.constant 0 : i32
        %scatter3A_483 = tpu.memref_slice %arg9[%rem3A_180, %scatter3A, %scatter3A_482] : memref<3x64x128xf32, #tpu.memory_space<vmem>> -> memref<1x64x128xf32, #tpu.memory_space<vmem>>
        %scatter3A_484 = tpu.memref_squeeze %scatter3A_483 : memref<1x64x128xf32, #tpu.memory_space<vmem>> -> memref<64x128xf32, #tpu.memory_space<vmem>>
        tpu.vector_store_idx %scatter3A_484[%add3A_198, %broadcast_in_dim3A_237], %add3A_450 : memref<64x128xf32, #tpu.memory_space<vmem>>[vector<16xi32>, vector<16xi32>], vector<16xf32>,
        %scatter3A_485 = arith.constant 0 : i32
        %scatter3A_486 = arith.constant 0 : i32
        %scatter3A_487 = tpu.memref_slice %arg9[%rem3A_180, %scatter3A_485, %scatter3A_486] : memref<3x64x128xf32, #tpu.memory_space<vmem>> -> memref<1x64x128xf32, #tpu.memory_space<vmem>>
        %scatter3A_488 = tpu.memref_squeeze %scatter3A_487 : memref<1x64x128xf32, #tpu.memory_space<vmem>> -> memref<64x128xf32, #tpu.memory_space<vmem>>
        tpu.vector_store_idx %scatter3A_488[%add3A_201, %broadcast_in_dim3A_237], %add3A_451 : memref<64x128xf32, #tpu.memory_space<vmem>>[vector<16xi32>, vector<16xi32>], vector<16xf32>,
        %scatter3A_489 = arith.constant 0 : i32
        %scatter3A_490 = arith.constant 0 : i32
        %scatter3A_491 = tpu.memref_slice %arg9[%rem3A_180, %scatter3A_489, %scatter3A_490] : memref<3x64x128xf32, #tpu.memory_space<vmem>> -> memref<1x64x128xf32, #tpu.memory_space<vmem>>
        %scatter3A_492 = tpu.memref_squeeze %scatter3A_491 : memref<1x64x128xf32, #tpu.memory_space<vmem>> -> memref<64x128xf32, #tpu.memory_space<vmem>>
        tpu.vector_store_idx %scatter3A_492[%add3A_204, %broadcast_in_dim3A_237], %add3A_452 : memref<64x128xf32, #tpu.memory_space<vmem>>[vector<16xi32>, vector<16xi32>], vector<16xf32>,
        %scatter3A_493 = arith.constant 0 : i32
        %scatter3A_494 = arith.constant 0 : i32
        %scatter3A_495 = tpu.memref_slice %arg9[%rem3A_180, %scatter3A_493, %scatter3A_494] : memref<3x64x128xf32, #tpu.memory_space<vmem>> -> memref<1x64x128xf32, #tpu.memory_space<vmem>>
        %scatter3A_496 = tpu.memref_squeeze %scatter3A_495 : memref<1x64x128xf32, #tpu.memory_space<vmem>> -> memref<64x128xf32, #tpu.memory_space<vmem>>
        tpu.vector_store_idx %scatter3A_496[%add3A_207, %broadcast_in_dim3A_237], %add3A_453 : memref<64x128xf32, #tpu.memory_space<vmem>>[vector<16xi32>, vector<16xi32>], vector<16xf32>,
        %scatter3A_497 = arith.constant 0 : i32
        %scatter3A_498 = arith.constant 0 : i32
        %scatter3A_499 = tpu.memref_slice %arg9[%rem3A_180, %scatter3A_497, %scatter3A_498] : memref<3x64x128xf32, #tpu.memory_space<vmem>> -> memref<1x64x128xf32, #tpu.memory_space<vmem>>
        %scatter3A_500 = tpu.memref_squeeze %scatter3A_499 : memref<1x64x128xf32, #tpu.memory_space<vmem>> -> memref<64x128xf32, #tpu.memory_space<vmem>>
        tpu.vector_store_idx %scatter3A_500[%add3A_198, %broadcast_in_dim3A_240], %add3A_454 : memref<64x128xf32, #tpu.memory_space<vmem>>[vector<16xi32>, vector<16xi32>], vector<16xf32>,
        %scatter3A_501 = arith.constant 0 : i32
        %scatter3A_502 = arith.constant 0 : i32
        %scatter3A_503 = tpu.memref_slice %arg9[%rem3A_180, %scatter3A_501, %scatter3A_502] : memref<3x64x128xf32, #tpu.memory_space<vmem>> -> memref<1x64x128xf32, #tpu.memory_space<vmem>>
        %scatter3A_504 = tpu.memref_squeeze %scatter3A_503 : memref<1x64x128xf32, #tpu.memory_space<vmem>> -> memref<64x128xf32, #tpu.memory_space<vmem>>
        tpu.vector_store_idx %scatter3A_504[%add3A_201, %broadcast_in_dim3A_240], %add3A_455 : memref<64x128xf32, #tpu.memory_space<vmem>>[vector<16xi32>, vector<16xi32>], vector<16xf32>,
        %scatter3A_505 = arith.constant 0 : i32
        %scatter3A_506 = arith.constant 0 : i32
        %scatter3A_507 = tpu.memref_slice %arg9[%rem3A_180, %scatter3A_505, %scatter3A_506] : memref<3x64x128xf32, #tpu.memory_space<vmem>> -> memref<1x64x128xf32, #tpu.memory_space<vmem>>
        %scatter3A_508 = tpu.memref_squeeze %scatter3A_507 : memref<1x64x128xf32, #tpu.memory_space<vmem>> -> memref<64x128xf32, #tpu.memory_space<vmem>>
        tpu.vector_store_idx %scatter3A_508[%add3A_204, %broadcast_in_dim3A_240], %add3A_456 : memref<64x128xf32, #tpu.memory_space<vmem>>[vector<16xi32>, vector<16xi32>], vector<16xf32>,
        %scatter3A_509 = arith.constant 0 : i32
        %scatter3A_510 = arith.constant 0 : i32
        %scatter3A_511 = tpu.memref_slice %arg9[%rem3A_180, %scatter3A_509, %scatter3A_510] : memref<3x64x128xf32, #tpu.memory_space<vmem>> -> memref<1x64x128xf32, #tpu.memory_space<vmem>>
        %scatter3A_512 = tpu.memref_squeeze %scatter3A_511 : memref<1x64x128xf32, #tpu.memory_space<vmem>> -> memref<64x128xf32, #tpu.memory_space<vmem>>
        tpu.vector_store_idx %scatter3A_512[%add3A_207, %broadcast_in_dim3A_240], %add3A_457 : memref<64x128xf32, #tpu.memory_space<vmem>>[vector<16xi32>, vector<16xi32>], vector<16xf32>,
        %scatter3A_513 = arith.constant 0 : i32
        %scatter3A_514 = arith.constant 0 : i32
        %scatter3A_515 = tpu.memref_slice %arg9[%rem3A_180, %scatter3A_513, %scatter3A_514] : memref<3x64x128xf32, #tpu.memory_space<vmem>> -> memref<1x64x128xf32, #tpu.memory_space<vmem>>
        %scatter3A_516 = tpu.memref_squeeze %scatter3A_515 : memref<1x64x128xf32, #tpu.memory_space<vmem>> -> memref<64x128xf32, #tpu.memory_space<vmem>>
        tpu.vector_store_idx %scatter3A_516[%add3A_198, %broadcast_in_dim3A_243], %add3A_458 : memref<64x128xf32, #tpu.memory_space<vmem>>[vector<16xi32>, vector<16xi32>], vector<16xf32>,
        %scatter3A_517 = arith.constant 0 : i32
        %scatter3A_518 = arith.constant 0 : i32
        %scatter3A_519 = tpu.memref_slice %arg9[%rem3A_180, %scatter3A_517, %scatter3A_518] : memref<3x64x128xf32, #tpu.memory_space<vmem>> -> memref<1x64x128xf32, #tpu.memory_space<vmem>>
        %scatter3A_520 = tpu.memref_squeeze %scatter3A_519 : memref<1x64x128xf32, #tpu.memory_space<vmem>> -> memref<64x128xf32, #tpu.memory_space<vmem>>
        tpu.vector_store_idx %scatter3A_520[%add3A_201, %broadcast_in_dim3A_243], %add3A_459 : memref<64x128xf32, #tpu.memory_space<vmem>>[vector<16xi32>, vector<16xi32>], vector<16xf32>,
        %scatter3A_521 = arith.constant 0 : i32
        %scatter3A_522 = arith.constant 0 : i32
        %scatter3A_523 = tpu.memref_slice %arg9[%rem3A_180, %scatter3A_521, %scatter3A_522] : memref<3x64x128xf32, #tpu.memory_space<vmem>> -> memref<1x64x128xf32, #tpu.memory_space<vmem>>
        %scatter3A_524 = tpu.memref_squeeze %scatter3A_523 : memref<1x64x128xf32, #tpu.memory_space<vmem>> -> memref<64x128xf32, #tpu.memory_space<vmem>>
        tpu.vector_store_idx %scatter3A_524[%add3A_204, %broadcast_in_dim3A_243], %add3A_460 : memref<64x128xf32, #tpu.memory_space<vmem>>[vector<16xi32>, vector<16xi32>], vector<16xf32>,
        %scatter3A_525 = arith.constant 0 : i32
        %scatter3A_526 = arith.constant 0 : i32
        %scatter3A_527 = tpu.memref_slice %arg9[%rem3A_180, %scatter3A_525, %scatter3A_526] : memref<3x64x128xf32, #tpu.memory_space<vmem>> -> memref<1x64x128xf32, #tpu.memory_space<vmem>>
        %scatter3A_528 = tpu.memref_squeeze %scatter3A_527 : memref<1x64x128xf32, #tpu.memory_space<vmem>> -> memref<64x128xf32, #tpu.memory_space<vmem>>
        tpu.vector_store_idx %scatter3A_528[%add3A_207, %broadcast_in_dim3A_243], %add3A_461 : memref<64x128xf32, #tpu.memory_space<vmem>>[vector<16xi32>, vector<16xi32>], vector<16xf32>,
        %scatter3A_529 = arith.constant 0 : i32
        %scatter3A_530 = arith.constant 0 : i32
        %scatter3A_531 = tpu.memref_slice %arg9[%rem3A_180, %scatter3A_529, %scatter3A_530] : memref<3x64x128xf32, #tpu.memory_space<vmem>> -> memref<1x64x128xf32, #tpu.memory_space<vmem>>
        %scatter3A_532 = tpu.memref_squeeze %scatter3A_531 : memref<1x64x128xf32, #tpu.memory_space<vmem>> -> memref<64x128xf32, #tpu.memory_space<vmem>>
        tpu.vector_store_idx %scatter3A_532[%add3A_198, %broadcast_in_dim3A_246], %add3A_462 : memref<64x128xf32, #tpu.memory_space<vmem>>[vector<16xi32>, vector<16xi32>], vector<16xf32>,
        %scatter3A_533 = arith.constant 0 : i32
        %scatter3A_534 = arith.constant 0 : i32
        %scatter3A_535 = tpu.memref_slice %arg9[%rem3A_180, %scatter3A_533, %scatter3A_534] : memref<3x64x128xf32, #tpu.memory_space<vmem>> -> memref<1x64x128xf32, #tpu.memory_space<vmem>>
        %scatter3A_536 = tpu.memref_squeeze %scatter3A_535 : memref<1x64x128xf32, #tpu.memory_space<vmem>> -> memref<64x128xf32, #tpu.memory_space<vmem>>
        tpu.vector_store_idx %scatter3A_536[%add3A_201, %broadcast_in_dim3A_246], %add3A_463 : memref<64x128xf32, #tpu.memory_space<vmem>>[vector<16xi32>, vector<16xi32>], vector<16xf32>,
        %scatter3A_537 = arith.constant 0 : i32
        %scatter3A_538 = arith.constant 0 : i32
        %scatter3A_539 = tpu.memref_slice %arg9[%rem3A_180, %scatter3A_537, %scatter3A_538] : memref<3x64x128xf32, #tpu.memory_space<vmem>> -> memref<1x64x128xf32, #tpu.memory_space<vmem>>
        %scatter3A_540 = tpu.memref_squeeze %scatter3A_539 : memref<1x64x128xf32, #tpu.memory_space<vmem>> -> memref<64x128xf32, #tpu.memory_space<vmem>>
        tpu.vector_store_idx %scatter3A_540[%add3A_204, %broadcast_in_dim3A_246], %add3A_464 : memref<64x128xf32, #tpu.memory_space<vmem>>[vector<16xi32>, vector<16xi32>], vector<16xf32>,
        %scatter3A_541 = arith.constant 0 : i32
        %scatter3A_542 = arith.constant 0 : i32
        %scatter3A_543 = tpu.memref_slice %arg9[%rem3A_180, %scatter3A_541, %scatter3A_542] : memref<3x64x128xf32, #tpu.memory_space<vmem>> -> memref<1x64x128xf32, #tpu.memory_space<vmem>>
        %scatter3A_544 = tpu.memref_squeeze %scatter3A_543 : memref<1x64x128xf32, #tpu.memory_space<vmem>> -> memref<64x128xf32, #tpu.memory_space<vmem>>
        tpu.vector_store_idx %scatter3A_544[%add3A_207, %broadcast_in_dim3A_246], %add3A_465 : memref<64x128xf32, #tpu.memory_space<vmem>>[vector<16xi32>, vector<16xi32>], vector<16xf32>,
        %scatter3A_545 = arith.constant 0 : i32
        %scatter3A_546 = arith.constant 0 : i32
        %scatter3A_547 = tpu.memref_slice %arg9[%rem3A_180, %scatter3A_545, %scatter3A_546] : memref<3x64x128xf32, #tpu.memory_space<vmem>> -> memref<1x64x128xf32, #tpu.memory_space<vmem>>
        %scatter3A_548 = tpu.memref_squeeze %scatter3A_547 : memref<1x64x128xf32, #tpu.memory_space<vmem>> -> memref<64x128xf32, #tpu.memory_space<vmem>>
        tpu.vector_store_idx %scatter3A_548[%add3A_198, %broadcast_in_dim3A_249], %add3A_466 : memref<64x128xf32, #tpu.memory_space<vmem>>[vector<16xi32>, vector<16xi32>], vector<16xf32>,
        %scatter3A_549 = arith.constant 0 : i32
        %scatter3A_550 = arith.constant 0 : i32
        %scatter3A_551 = tpu.memref_slice %arg9[%rem3A_180, %scatter3A_549, %scatter3A_550] : memref<3x64x128xf32, #tpu.memory_space<vmem>> -> memref<1x64x128xf32, #tpu.memory_space<vmem>>
        %scatter3A_552 = tpu.memref_squeeze %scatter3A_551 : memref<1x64x128xf32, #tpu.memory_space<vmem>> -> memref<64x128xf32, #tpu.memory_space<vmem>>
        tpu.vector_store_idx %scatter3A_552[%add3A_201, %broadcast_in_dim3A_249], %add3A_467 : memref<64x128xf32, #tpu.memory_space<vmem>>[vector<16xi32>, vector<16xi32>], vector<16xf32>,
        %scatter3A_553 = arith.constant 0 : i32
        %scatter3A_554 = arith.constant 0 : i32
        %scatter3A_555 = tpu.memref_slice %arg9[%rem3A_180, %scatter3A_553, %scatter3A_554] : memref<3x64x128xf32, #tpu.memory_space<vmem>> -> memref<1x64x128xf32, #tpu.memory_space<vmem>>
        %scatter3A_556 = tpu.memref_squeeze %scatter3A_555 : memref<1x64x128xf32, #tpu.memory_space<vmem>> -> memref<64x128xf32, #tpu.memory_space<vmem>>
        tpu.vector_store_idx %scatter3A_556[%add3A_204, %broadcast_in_dim3A_249], %add3A_468 : memref<64x128xf32, #tpu.memory_space<vmem>>[vector<16xi32>, vector<16xi32>], vector<16xf32>,
        %scatter3A_557 = arith.constant 0 : i32
        %scatter3A_558 = arith.constant 0 : i32
        %scatter3A_559 = tpu.memref_slice %arg9[%rem3A_180, %scatter3A_557, %scatter3A_558] : memref<3x64x128xf32, #tpu.memory_space<vmem>> -> memref<1x64x128xf32, #tpu.memory_space<vmem>>
        %scatter3A_560 = tpu.memref_squeeze %scatter3A_559 : memref<1x64x128xf32, #tpu.memory_space<vmem>> -> memref<64x128xf32, #tpu.memory_space<vmem>>
        tpu.vector_store_idx %scatter3A_560[%add3A_207, %broadcast_in_dim3A_249], %add3A_469 : memref<64x128xf32, #tpu.memory_space<vmem>>[vector<16xi32>, vector<16xi32>], vector<16xf32>,
        %scatter3A_561 = arith.constant 0 : i32
        %scatter3A_562 = arith.constant 0 : i32
        %scatter3A_563 = tpu.memref_slice %arg9[%rem3A_180, %scatter3A_561, %scatter3A_562] : memref<3x64x128xf32, #tpu.memory_space<vmem>> -> memref<1x64x128xf32, #tpu.memory_space<vmem>>
        %scatter3A_564 = tpu.memref_squeeze %scatter3A_563 : memref<1x64x128xf32, #tpu.memory_space<vmem>> -> memref<64x128xf32, #tpu.memory_space<vmem>>
        tpu.vector_store_idx %scatter3A_564[%add3A_198, %broadcast_in_dim3A_252], %add3A_470 : memref<64x128xf32, #tpu.memory_space<vmem>>[vector<16xi32>, vector<16xi32>], vector<16xf32>,
        %scatter3A_565 = arith.constant 0 : i32
        %scatter3A_566 = arith.constant 0 : i32
        %scatter3A_567 = tpu.memref_slice %arg9[%rem3A_180, %scatter3A_565, %scatter3A_566] : memref<3x64x128xf32, #tpu.memory_space<vmem>> -> memref<1x64x128xf32, #tpu.memory_space<vmem>>
        %scatter3A_568 = tpu.memref_squeeze %scatter3A_567 : memref<1x64x128xf32, #tpu.memory_space<vmem>> -> memref<64x128xf32, #tpu.memory_space<vmem>>
        tpu.vector_store_idx %scatter3A_568[%add3A_201, %broadcast_in_dim3A_252], %add3A_471 : memref<64x128xf32, #tpu.memory_space<vmem>>[vector<16xi32>, vector<16xi32>], vector<16xf32>,
        %scatter3A_569 = arith.constant 0 : i32
        %scatter3A_570 = arith.constant 0 : i32
        %scatter3A_571 = tpu.memref_slice %arg9[%rem3A_180, %scatter3A_569, %scatter3A_570] : memref<3x64x128xf32, #tpu.memory_space<vmem>> -> memref<1x64x128xf32, #tpu.memory_space<vmem>>
        %scatter3A_572 = tpu.memref_squeeze %scatter3A_571 : memref<1x64x128xf32, #tpu.memory_space<vmem>> -> memref<64x128xf32, #tpu.memory_space<vmem>>
        tpu.vector_store_idx %scatter3A_572[%add3A_204, %broadcast_in_dim3A_252], %add3A_472 : memref<64x128xf32, #tpu.memory_space<vmem>>[vector<16xi32>, vector<16xi32>], vector<16xf32>,
        %scatter3A_573 = arith.constant 0 : i32
        %scatter3A_574 = arith.constant 0 : i32
        %scatter3A_575 = tpu.memref_slice %arg9[%rem3A_180, %scatter3A_573, %scatter3A_574] : memref<3x64x128xf32, #tpu.memory_space<vmem>> -> memref<1x64x128xf32, #tpu.memory_space<vmem>>
        %scatter3A_576 = tpu.memref_squeeze %scatter3A_575 : memref<1x64x128xf32, #tpu.memory_space<vmem>> -> memref<64x128xf32, #tpu.memory_space<vmem>>
        tpu.vector_store_idx %scatter3A_576[%add3A_207, %broadcast_in_dim3A_252], %add3A_473 : memref<64x128xf32, #tpu.memory_space<vmem>>[vector<16xi32>, vector<16xi32>], vector<16xf32>,
        %scatter3A_577 = arith.constant 0 : i32
        %scatter3A_578 = arith.constant 0 : i32
        %scatter3A_579 = tpu.memref_slice %arg9[%rem3A_180, %scatter3A_577, %scatter3A_578] : memref<3x64x128xf32, #tpu.memory_space<vmem>> -> memref<1x64x128xf32, #tpu.memory_space<vmem>>
        %scatter3A_580 = tpu.memref_squeeze %scatter3A_579 : memref<1x64x128xf32, #tpu.memory_space<vmem>> -> memref<64x128xf32, #tpu.memory_space<vmem>>
        tpu.vector_store_idx %scatter3A_580[%add3A_198, %broadcast_in_dim3A_255], %add3A_474 : memref<64x128xf32, #tpu.memory_space<vmem>>[vector<16xi32>, vector<16xi32>], vector<16xf32>,
        %scatter3A_581 = arith.constant 0 : i32
        %scatter3A_582 = arith.constant 0 : i32
        %scatter3A_583 = tpu.memref_slice %arg9[%rem3A_180, %scatter3A_581, %scatter3A_582] : memref<3x64x128xf32, #tpu.memory_space<vmem>> -> memref<1x64x128xf32, #tpu.memory_space<vmem>>
        %scatter3A_584 = tpu.memref_squeeze %scatter3A_583 : memref<1x64x128xf32, #tpu.memory_space<vmem>> -> memref<64x128xf32, #tpu.memory_space<vmem>>
        tpu.vector_store_idx %scatter3A_584[%add3A_201, %broadcast_in_dim3A_255], %add3A_475 : memref<64x128xf32, #tpu.memory_space<vmem>>[vector<16xi32>, vector<16xi32>], vector<16xf32>,
        %scatter3A_585 = arith.constant 0 : i32
        %scatter3A_586 = arith.constant 0 : i32
        %scatter3A_587 = tpu.memref_slice %arg9[%rem3A_180, %scatter3A_585, %scatter3A_586] : memref<3x64x128xf32, #tpu.memory_space<vmem>> -> memref<1x64x128xf32, #tpu.memory_space<vmem>>
        %scatter3A_588 = tpu.memref_squeeze %scatter3A_587 : memref<1x64x128xf32, #tpu.memory_space<vmem>> -> memref<64x128xf32, #tpu.memory_space<vmem>>
        tpu.vector_store_idx %scatter3A_588[%add3A_204, %broadcast_in_dim3A_255], %add3A_476 : memref<64x128xf32, #tpu.memory_space<vmem>>[vector<16xi32>, vector<16xi32>], vector<16xf32>,
        %scatter3A_589 = arith.constant 0 : i32
        %scatter3A_590 = arith.constant 0 : i32
        %scatter3A_591 = tpu.memref_slice %arg9[%rem3A_180, %scatter3A_589, %scatter3A_590] : memref<3x64x128xf32, #tpu.memory_space<vmem>> -> memref<1x64x128xf32, #tpu.memory_space<vmem>>
        %scatter3A_592 = tpu.memref_squeeze %scatter3A_591 : memref<1x64x128xf32, #tpu.memory_space<vmem>> -> memref<64x128xf32, #tpu.memory_space<vmem>>
        tpu.vector_store_idx %scatter3A_592[%add3A_207, %broadcast_in_dim3A_255], %add3A_477 : memref<64x128xf32, #tpu.memory_space<vmem>>[vector<16xi32>, vector<16xi32>], vector<16xf32>,
        %scatter3A_593 = arith.constant 0 : i32
        %scatter3A_594 = arith.constant 0 : i32
        %scatter3A_595 = tpu.memref_slice %arg9[%rem3A_180, %scatter3A_593, %scatter3A_594] : memref<3x64x128xf32, #tpu.memory_space<vmem>> -> memref<1x64x128xf32, #tpu.memory_space<vmem>>
        %scatter3A_596 = tpu.memref_squeeze %scatter3A_595 : memref<1x64x128xf32, #tpu.memory_space<vmem>> -> memref<64x128xf32, #tpu.memory_space<vmem>>
        tpu.vector_store_idx %scatter3A_596[%add3A_198, %broadcast_in_dim3A_258], %add3A_478 : memref<64x128xf32, #tpu.memory_space<vmem>>[vector<16xi32>, vector<16xi32>], vector<16xf32>,
        %scatter3A_597 = arith.constant 0 : i32
        %scatter3A_598 = arith.constant 0 : i32
        %scatter3A_599 = tpu.memref_slice %arg9[%rem3A_180, %scatter3A_597, %scatter3A_598] : memref<3x64x128xf32, #tpu.memory_space<vmem>> -> memref<1x64x128xf32, #tpu.memory_space<vmem>>
        %scatter3A_600 = tpu.memref_squeeze %scatter3A_599 : memref<1x64x128xf32, #tpu.memory_space<vmem>> -> memref<64x128xf32, #tpu.memory_space<vmem>>
        tpu.vector_store_idx %scatter3A_600[%add3A_201, %broadcast_in_dim3A_258], %add3A_479 : memref<64x128xf32, #tpu.memory_space<vmem>>[vector<16xi32>, vector<16xi32>], vector<16xf32>,
        %scatter3A_601 = arith.constant 0 : i32
        %scatter3A_602 = arith.constant 0 : i32
        %scatter3A_603 = tpu.memref_slice %arg9[%rem3A_180, %scatter3A_601, %scatter3A_602] : memref<3x64x128xf32, #tpu.memory_space<vmem>> -> memref<1x64x128xf32, #tpu.memory_space<vmem>>
        %scatter3A_604 = tpu.memref_squeeze %scatter3A_603 : memref<1x64x128xf32, #tpu.memory_space<vmem>> -> memref<64x128xf32, #tpu.memory_space<vmem>>
        tpu.vector_store_idx %scatter3A_604[%add3A_204, %broadcast_in_dim3A_258], %add3A_480 : memref<64x128xf32, #tpu.memory_space<vmem>>[vector<16xi32>, vector<16xi32>], vector<16xf32>,
        %scatter3A_605 = arith.constant 0 : i32
        %scatter3A_606 = arith.constant 0 : i32
        %scatter3A_607 = tpu.memref_slice %arg9[%rem3A_180, %scatter3A_605, %scatter3A_606] : memref<3x64x128xf32, #tpu.memory_space<vmem>> -> memref<1x64x128xf32, #tpu.memory_space<vmem>>
        %scatter3A_608 = tpu.memref_squeeze %scatter3A_607 : memref<1x64x128xf32, #tpu.memory_space<vmem>> -> memref<64x128xf32, #tpu.memory_space<vmem>>
        tpu.vector_store_idx %scatter3A_608[%add3A_207, %broadcast_in_dim3A_258], %add3A_481 : memref<64x128xf32, #tpu.memory_space<vmem>>[vector<16xi32>, vector<16xi32>], vector<16xf32>,
      }
      %scan3A_213 = arith.constant 16 : i32
      %rem3A_214 = arith.constant 3 : i32
      %rem3A_215 = arith.remsi %scan3A_153, %rem3A_214 : i32
      %dma_start3A_216 = arith.constant 0 : i32
      %dma_start3A_217 = arith.constant 0 : i32
      %dma_start3A_218 = tpu.memref_slice %arg9[%rem3A_215, %dma_start3A_216, %dma_start3A_217] : memref<3x64x128xf32, #tpu.memory_space<vmem>> -> memref<1x64x128xf32, #tpu.memory_space<vmem>>
      %dma_start3A_219 = tpu.memref_squeeze %dma_start3A_218 : memref<1x64x128xf32, #tpu.memory_space<vmem>> -> memref<64x128xf32, #tpu.memory_space<vmem>>
      %dma_start3A_220 = arith.constant 0 : i32
      %dma_start3A_221 = tpu.memref_slice %arg5[%scan3A_153, %dma_start3A_220, %mul3A_2] : memref<77x64x4096xf32, #tpu.memory_space<hbm>> -> memref<1x64x128xf32, #tpu.memory_space<hbm>>
      %dma_start3A_222 = tpu.memref_squeeze %dma_start3A_221 : memref<1x64x128xf32, #tpu.memory_space<hbm>> -> memref<64x128xf32, #tpu.memory_space<hbm>>
      %dma_start3A_223 = tpu.memref_slice %arg11[%rem3A_215] : memref<3x!tpu.dma_semaphore, #tpu.memory_space<semaphore_mem>> -> memref<1x!tpu.dma_semaphore, #tpu.memory_space<semaphore_mem>>
      %dma_start3A_224 = tpu.memref_squeeze %dma_start3A_223 : memref<1x!tpu.dma_semaphore, #tpu.memory_space<semaphore_mem>> -> memref<!tpu.dma_semaphore, #tpu.memory_space<semaphore_mem>>
      %dma_start3A_225 = arith.constant 0 : i32
      %dma_start3A_226 = tpu.memref_slice %arg5[%scan3A_153, %dma_start3A_225, %mul3A_2] : memref<77x64x4096xf32, #tpu.memory_space<hbm>> -> memref<1x64x128xf32, #tpu.memory_space<hbm>>
      %dma_start3A_227 = tpu.memref_squeeze %dma_start3A_226 : memref<1x64x128xf32, #tpu.memory_space<hbm>> -> memref<64x128xf32, #tpu.memory_space<hbm>>
      %dma_start3A_228 = arith.constant 0 : i32
      %dma_start3A_229 = arith.constant 0 : i32
      %dma_start3A_230 = tpu.memref_slice %arg9[%rem3A_215, %dma_start3A_228, %dma_start3A_229] : memref<3x64x128xf32, #tpu.memory_space<vmem>> -> memref<1x64x128xf32, #tpu.memory_space<vmem>>
      %dma_start3A_231 = tpu.memref_squeeze %dma_start3A_230 : memref<1x64x128xf32, #tpu.memory_space<vmem>> -> memref<64x128xf32, #tpu.memory_space<vmem>>
      tpu.enqueue_dma source(%dma_start3A_231 : memref<64x128xf32, #tpu.memory_space<vmem>>) target(%dma_start3A_227 : memref<64x128xf32, #tpu.memory_space<hbm>>) target_semaphore(%dma_start3A_224 : memref<!tpu.dma_semaphore, #tpu.memory_space<semaphore_mem>>)
    }
    %scan3A_93 = arith.constant 77 : i32
    %rem3A_94 = arith.constant 74 : i32
    %rem3A_95 = arith.constant 3 : i32
    %rem3A_96 = arith.remsi %rem3A_94, %rem3A_95 : i32
    %dma_wait3A = arith.constant 74 : i32
    %dma_wait3A_97 = arith.constant 0 : i32
    %dma_wait3A_98 = arith.constant 0 : i32
    %dma_wait3A_99 = tpu.memref_slice %arg9[%rem3A_96, %dma_wait3A_97, %dma_wait3A_98] : memref<3x64x128xf32, #tpu.memory_space<vmem>> -> memref<1x64x128xf32, #tpu.memory_space<vmem>>
    %dma_wait3A_100 = tpu.memref_squeeze %dma_wait3A_99 : memref<1x64x128xf32, #tpu.memory_space<vmem>> -> memref<64x128xf32, #tpu.memory_space<vmem>>
    %dma_wait3A_101 = arith.constant 0 : i32
    %dma_wait3A_102 = tpu.memref_slice %arg5[%dma_wait3A, %dma_wait3A_101, %mul3A_2] : memref<77x64x4096xf32, #tpu.memory_space<hbm>> -> memref<1x64x128xf32, #tpu.memory_space<hbm>>
    %dma_wait3A_103 = tpu.memref_squeeze %dma_wait3A_102 : memref<1x64x128xf32, #tpu.memory_space<hbm>> -> memref<64x128xf32, #tpu.memory_space<hbm>>
    %dma_wait3A_104 = tpu.memref_slice %arg11[%rem3A_96] : memref<3x!tpu.dma_semaphore, #tpu.memory_space<semaphore_mem>> -> memref<1x!tpu.dma_semaphore, #tpu.memory_space<semaphore_mem>>
    %dma_wait3A_105 = tpu.memref_squeeze %dma_wait3A_104 : memref<1x!tpu.dma_semaphore, #tpu.memory_space<semaphore_mem>> -> memref<!tpu.dma_semaphore, #tpu.memory_space<semaphore_mem>>
    %dma_wait3A_106 = arith.constant 0 : i32
    %dma_wait3A_107 = tpu.memref_slice %arg5[%dma_wait3A, %dma_wait3A_106, %mul3A_2] : memref<77x64x4096xf32, #tpu.memory_space<hbm>> -> memref<1x64x128xf32, #tpu.memory_space<hbm>>
    %dma_wait3A_108 = tpu.memref_squeeze %dma_wait3A_107 : memref<1x64x128xf32, #tpu.memory_space<hbm>> -> memref<64x128xf32, #tpu.memory_space<hbm>>
    %dma_wait3A_109 = arith.constant 0 : i32
    %dma_wait3A_110 = arith.constant 0 : i32
    %dma_wait3A_111 = tpu.memref_slice %arg9[%rem3A_96, %dma_wait3A_109, %dma_wait3A_110] : memref<3x64x128xf32, #tpu.memory_space<vmem>> -> memref<1x64x128xf32, #tpu.memory_space<vmem>>
    %dma_wait3A_112 = tpu.memref_squeeze %dma_wait3A_111 : memref<1x64x128xf32, #tpu.memory_space<vmem>> -> memref<64x128xf32, #tpu.memory_space<vmem>>
    tpu.wait_dma2 semaphore(%dma_wait3A_105 : memref<!tpu.dma_semaphore, #tpu.memory_space<semaphore_mem>>) src(%dma_wait3A_112 : memref<64x128xf32, #tpu.memory_space<vmem>>) dst(%dma_wait3A_108 : memref<64x128xf32, #tpu.memory_space<hbm>>)
    %rem3A_113 = arith.constant 75 : i32
    %rem3A_114 = arith.constant 3 : i32
    %rem3A_115 = arith.remsi %rem3A_113, %rem3A_114 : i32
    %dma_wait3A_116 = arith.constant 75 : i32
    %dma_wait3A_117 = arith.constant 0 : i32
    %dma_wait3A_118 = arith.constant 0 : i32
    %dma_wait3A_119 = tpu.memref_slice %arg9[%rem3A_115, %dma_wait3A_117, %dma_wait3A_118] : memref<3x64x128xf32, #tpu.memory_space<vmem>> -> memref<1x64x128xf32, #tpu.memory_space<vmem>>
    %dma_wait3A_120 = tpu.memref_squeeze %dma_wait3A_119 : memref<1x64x128xf32, #tpu.memory_space<vmem>> -> memref<64x128xf32, #tpu.memory_space<vmem>>
    %dma_wait3A_121 = arith.constant 0 : i32
    %dma_wait3A_122 = tpu.memref_slice %arg5[%dma_wait3A_116, %dma_wait3A_121, %mul3A_2] : memref<77x64x4096xf32, #tpu.memory_space<hbm>> -> memref<1x64x128xf32, #tpu.memory_space<hbm>>
    %dma_wait3A_123 = tpu.memref_squeeze %dma_wait3A_122 : memref<1x64x128xf32, #tpu.memory_space<hbm>> -> memref<64x128xf32, #tpu.memory_space<hbm>>
    %dma_wait3A_124 = tpu.memref_slice %arg11[%rem3A_115] : memref<3x!tpu.dma_semaphore, #tpu.memory_space<semaphore_mem>> -> memref<1x!tpu.dma_semaphore, #tpu.memory_space<semaphore_mem>>
    %dma_wait3A_125 = tpu.memref_squeeze %dma_wait3A_124 : memref<1x!tpu.dma_semaphore, #tpu.memory_space<semaphore_mem>> -> memref<!tpu.dma_semaphore, #tpu.memory_space<semaphore_mem>>
    %dma_wait3A_126 = arith.constant 0 : i32
    %dma_wait3A_127 = tpu.memref_slice %arg5[%dma_wait3A_116, %dma_wait3A_126, %mul3A_2] : memref<77x64x4096xf32, #tpu.memory_space<hbm>> -> memref<1x64x128xf32, #tpu.memory_space<hbm>>
    %dma_wait3A_128 = tpu.memref_squeeze %dma_wait3A_127 : memref<1x64x128xf32, #tpu.memory_space<hbm>> -> memref<64x128xf32, #tpu.memory_space<hbm>>
    %dma_wait3A_129 = arith.constant 0 : i32
    %dma_wait3A_130 = arith.constant 0 : i32
    %dma_wait3A_131 = tpu.memref_slice %arg9[%rem3A_115, %dma_wait3A_129, %dma_wait3A_130] : memref<3x64x128xf32, #tpu.memory_space<vmem>> -> memref<1x64x128xf32, #tpu.memory_space<vmem>>
    %dma_wait3A_132 = tpu.memref_squeeze %dma_wait3A_131 : memref<1x64x128xf32, #tpu.memory_space<vmem>> -> memref<64x128xf32, #tpu.memory_space<vmem>>
    tpu.wait_dma2 semaphore(%dma_wait3A_125 : memref<!tpu.dma_semaphore, #tpu.memory_space<semaphore_mem>>) src(%dma_wait3A_132 : memref<64x128xf32, #tpu.memory_space<vmem>>) dst(%dma_wait3A_128 : memref<64x128xf32, #tpu.memory_space<hbm>>)
    %rem3A_133 = arith.constant 76 : i32
    %rem3A_134 = arith.constant 3 : i32
    %rem3A_135 = arith.remsi %rem3A_133, %rem3A_134 : i32
    %dma_wait3A_136 = arith.constant 76 : i32
    %dma_wait3A_137 = arith.constant 0 : i32
    %dma_wait3A_138 = arith.constant 0 : i32
    %dma_wait3A_139 = tpu.memref_slice %arg9[%rem3A_135, %dma_wait3A_137, %dma_wait3A_138] : memref<3x64x128xf32, #tpu.memory_space<vmem>> -> memref<1x64x128xf32, #tpu.memory_space<vmem>>
    %dma_wait3A_140 = tpu.memref_squeeze %dma_wait3A_139 : memref<1x64x128xf32, #tpu.memory_space<vmem>> -> memref<64x128xf32, #tpu.memory_space<vmem>>
    %dma_wait3A_141 = arith.constant 0 : i32
    %dma_wait3A_142 = tpu.memref_slice %arg5[%dma_wait3A_136, %dma_wait3A_141, %mul3A_2] : memref<77x64x4096xf32, #tpu.memory_space<hbm>> -> memref<1x64x128xf32, #tpu.memory_space<hbm>>
    %dma_wait3A_143 = tpu.memref_squeeze %dma_wait3A_142 : memref<1x64x128xf32, #tpu.memory_space<hbm>> -> memref<64x128xf32, #tpu.memory_space<hbm>>
    %dma_wait3A_144 = tpu.memref_slice %arg11[%rem3A_135] : memref<3x!tpu.dma_semaphore, #tpu.memory_space<semaphore_mem>> -> memref<1x!tpu.dma_semaphore, #tpu.memory_space<semaphore_mem>>
    %dma_wait3A_145 = tpu.memref_squeeze %dma_wait3A_144 : memref<1x!tpu.dma_semaphore, #tpu.memory_space<semaphore_mem>> -> memref<!tpu.dma_semaphore, #tpu.memory_space<semaphore_mem>>
    %dma_wait3A_146 = arith.constant 0 : i32
    %dma_wait3A_147 = tpu.memref_slice %arg5[%dma_wait3A_136, %dma_wait3A_146, %mul3A_2] : memref<77x64x4096xf32, #tpu.memory_space<hbm>> -> memref<1x64x128xf32, #tpu.memory_space<hbm>>
    %dma_wait3A_148 = tpu.memref_squeeze %dma_wait3A_147 : memref<1x64x128xf32, #tpu.memory_space<hbm>> -> memref<64x128xf32, #tpu.memory_space<hbm>>
    %dma_wait3A_149 = arith.constant 0 : i32
    %dma_wait3A_150 = arith.constant 0 : i32
    %dma_wait3A_151 = tpu.memref_slice %arg9[%rem3A_135, %dma_wait3A_149, %dma_wait3A_150] : memref<3x64x128xf32, #tpu.memory_space<vmem>> -> memref<1x64x128xf32, #tpu.memory_space<vmem>>
    %dma_wait3A_152 = tpu.memref_squeeze %dma_wait3A_151 : memref<1x64x128xf32, #tpu.memory_space<vmem>> -> memref<64x128xf32, #tpu.memory_space<vmem>>
    tpu.wait_dma2 semaphore(%dma_wait3A_145 : memref<!tpu.dma_semaphore, #tpu.memory_space<semaphore_mem>>) src(%dma_wait3A_152 : memref<64x128xf32, #tpu.memory_space<vmem>>) dst(%dma_wait3A_148 : memref<64x128xf32, #tpu.memory_space<hbm>>)
    return
  }
}

module attributes {stable_mosaic.version = 14 : i64} {
  func.func @_prep_body(%arg0: i32, %arg1: memref<64x16384xf32, #tpu.memory_space<vmem>>, %arg2: memref<16384x128xf32, #tpu.memory_space<vmem>>) attributes {dimension_semantics = [#tpu.dimension_semantics<arbitrary>], iteration_bounds = array<i64: 62>, scalar_prefetch = 0 : i64, scratch_operands = 0 : i64, tpu.core_type = #tpu.core_type<tc>, window_params = [{transform_indices = @transform_0, window_bounds = array<i64: 64, 16384>}, {transform_indices = @transform_1, window_bounds = array<i64: 16384, 128>}]} {
    %get3A = arith.constant 0 : index
    %get3A_0 = arith.constant 0 : index
    %get3A_1 = vector.load %arg1[%get3A, %get3A_0] : memref<64x16384xf32, #tpu.memory_space<vmem>>, vector<64x16384xf32>
    %iota3A = tpu.iota {dimensions = array<i32: 0>} : vector<64x64xi32>
    %iota3A_2 = tpu.iota {dimensions = array<i32: 1>} : vector<64x64xi32>
    %eq3A = arith.cmpi eq, %iota3A, %iota3A_2 : vector<64x64xi32>
    %convert_element_type3A = arith.extui %eq3A : vector<64x64xi1> to vector<64x64xi32>
    %convert_element_type3A_3 = arith.sitofp %convert_element_type3A : vector<64x64xi32> to vector<64x64xf32>
    %dot_general3A = arith.constant dense<0.000000e+00> : vector<16384x64xf32>
    %dot_general3A_4 = tpu.matmul %get3A_1, %convert_element_type3A_3, %dot_general3A {dimension_numbers = #tpu.dot_dimension_numbers<[0], [0], [1], [1], [0, 1, 1, 1], [], []>, transpose_lhs_hint = false} : vector<64x16384xf32>, vector<64x64xf32>, vector<16384x64xf32> -> vector<16384x64xf32>
    %swap3A = arith.constant 0 : index
    %swap3A_5 = arith.constant 0 : index
    %swap3A_6 = vector.load %arg2[%swap3A, %swap3A_5] : memref<16384x128xf32, #tpu.memory_space<vmem>>, vector<16384x64xf32>
    tpu.vector_store %arg2[%swap3A, %swap3A_5], %dot_general3A_4 {strides = array<i32>} : memref<16384x128xf32, #tpu.memory_space<vmem>>, vector<16384x64xf32>,
    return
  }
  func.func @transform_0(%arg0: i32) -> (i32, i32) {
    %c0_i32 = arith.constant 0 : i32
    %c0_i32_0 = arith.constant 0 : i32
    return %c0_i32, %arg0 : i32, i32
  }
  func.func @transform_1(%arg0: i32) -> (i32, i32) {
    %c0_i32 = arith.constant 0 : i32
    %c0_i32_0 = arith.constant 0 : i32
    return %arg0, %c0_i32 : i32, i32
  }
}

</mosaic_0001>

<sc_bundles>
// kernel: kernel.4.cloned.1.call-start
scs
__scs_entry_jumppad:
0x0: {  	(pc) =	sbr.rel $0x88, $3  }
0x1: {  	(tag) =	ssettag $0x0;
	lr =	simm.s32 $0x1  }
0x2: {  	[smem:$0x3F9E] =	sst lr;
	_ =	strace $0xD0000000  }
0x3: {  	_ = 	snop  }
0x4: {  	_ = 	snop  }
0x5: {  	_ = 	snop  }
0x6: {  	_ = 	snop  }
0x7: {  	_ = 	snop  }
__scs_overlays_trampoline_lowered:
0x8: {  	[smem:$0x3FAD] =	sst s0  }
0x9: {  	[smem:$0x3FAE] =	sst s1  }
0xa: {  	[smem:$0x3FAF] =	sst s2  }
0xb: {  	[smem:$0x3FB0] =	sst s3  }
0xc: {  	[smem:$0x3FB1] =	sst s4  }
0xd: {  	[smem:$0x3FB2] =	sst s5  }
0xe: {  	[smem:$0x3FB3] =	sst s6  }
0xf: {  	[smem:$0x3FB4] =	sst s7  }
0x10: {  	[smem:$0x3FB5] =	sst s8  }
0x11: {  	[smem:$0x3FB6] =	sst s9;
	s0 =	simm.s32 @!p0 $0x0  }
0x12: {  	s1 =	sld [smem:$0x3F9C];
	s0 =	simm.s32 @p0 $0x1  }
0x13: {  	[smem:$0x3FB7] =	sst s0;
	s0 =	simm.s32 @!p1 $0x0  }
0x14: {  	s2 =	sld [smem:$0x3F9B];
	s0 =	simm.s32 @p1 $0x1  }
0x15: {  	[smem:$0x3FB8] =	sst s0;
	s0 =	simm.s32 @!p2 $0x0  }
0x16: {  	s3 =	sld [smem:$0x3FDB];
	s0 =	simm.s32 @p2 $0x1  }
0x17: {  	s4 =	simm.s32 $0x1BF5;
	[smem:$0x3FBA] =	sst s0  }
0x18: {  	s0 =	sld [smem:$0x3F9D];
	_ =	swait.ge [sflag:s4], $0x0  }
0x19: {  	s7 =	sld [smem:$0x3F9E]  }
0x1a: {  	s8 =	sadd.s32 $0xFFFFE003, lr  }
0x1b: {  	s9 =	sadd.s32 $0xFFFFFEF7, lr;
	s5 =	simm.s32 $0xFFFFFFFF;
	p2 =	slt.u32 s8, $0xFFFFF086  }
0x1c: {  	p1 =	slt.u32 s9, $0xF7A;
	s5 =	simm.s32 @!p2 $0x0  }
0x1d: {  	s5 =	simm.s32 @p1 $0x1;
	p0 =	seq.s32 s7, s2  }
0x1e: {  	s7 =	smul.u32 @!p0 $0xF7A, s2;
	p2 =	seq.s32 @!p0 s5, $0x0  }
0x1f: {  	s9 =	smul.u32 $0xF7A, s1;
	s8 =	simm.s32 @!p0 $0x1BF5;
	p2 =	por !p2, p0  }
0x20: {  	[sflag:s8] =	ssyncset.s32 @!p0 $0xFFFFF086;
	s6 =	sadd.s32 @!p0 s3, s7;
	s7 =	simm.s32 @!p0 $0x108  }
0x21: {  	s3 =	sadd.s32 s3, s9;
	s6 =	sadd.s32 @!p0 $0x88, s6;
	s7 =	simm.s32 @p2 $0x1082  }
0x22: {  	[simem:s7], [sflag:s8] =	dma.local @!p0 [hbm:s6], $0xF7A  }
0x23: {  	s9 =	sor.u32 $0xD0000000, s2;
	s6 =	simm.s32 $0x108;
	_ =	swait.ge @!p0 [sflag:s8], $0x0  }
0x24: {  	s3 =	sadd.s32 $0x88, s3;
	s6 =	simm.s32 @!p1 $0x1082;
	[sflag:s4] =	ssyncset.s32 $0xFFFFF086  }
0x25: {  	[simem:s6], [sflag:s4] =	dma.local [hbm:s3], $0xF7A  }
0x26: {  	[smem:$0x3F9E] =	sst s1;
	(tag) =	ssettag s2;
	_ =	strace s9  }
0x27: {  	s1 =	sld [smem:$0x3FAE]  }
0x28: {  	s2 =	sld [smem:$0x3FAF]  }
0x29: {  	s4 =	sld [smem:$0x3FB1]  }
0x2a: {  	p0 =	seq.s32 s5, $0x0;
	s5 =	sld [smem:$0x3FB2]  }
0x2b: {  	s6 =	sld [smem:$0x3FB3]  }
0x2c: {  	s7 =	sld [smem:$0x3FB4]  }
0x2d: {  	s3 =	simm.s32 $0x108;
	s8 =	sld [smem:$0x3FB5]  }
0x2e: {  	s3 =	simm.s32 @!p0 $0x1082;
	s9 =	sld [smem:$0x3FB6]  }
0x2f: {  	lr =	sadd.s32 s0, s3;
	s0 =	sld [smem:$0x3FAD]  }
0x30: {  	s3 =	sld [smem:$0x3FB0]  }
0x31: {  	[smem:$0x3FB9] =	sst s10  }
0x32: {  	s10 =	sld [smem:$0x3FB7];
	_ =	sdelay $0x3  }
0x33: {  	p0 =	seq.s32 s10, $0x1;
	s10 =	sld [smem:$0x3FB9];
	_ =	sdelay $0x3  }
0x34: {  	[smem:$0x3FB9] =	sst s10  }
0x35: {  	s10 =	sld [smem:$0x3FB8];
	_ =	sdelay $0x3  }
0x36: {  	p1 =	seq.s32 s10, $0x1;
	s10 =	sld [smem:$0x3FB9];
	_ =	sdelay $0x3  }
0x37: {  	[smem:$0x3FB9] =	sst s10  }
0x38: {  	s10 =	sld [smem:$0x3FBA]  }
0x39: {  	_ = 	snop;
	(pc) =	sbr.ind lr, $3  }
0x3a: {  	_ = 	snop  }
0x3b: {  	_ = 	snop  }
0x3c: {  	p2 =	seq.s32 s10, $0x1;
	s10 =	sld [smem:$0x3FB9]  }
0x3d: {  	_ =	shalt  }
0x3e: {  	_ =	shalt  }
0x3f: {  	_ =	shalt  }
0x40: {  	_ =	shalt  }
0x41: {  	_ =	shalt  }
0x42: {  	_ =	shalt  }
0x43: {  	_ =	shalt  }
0x44: {  	_ =	shalt  }
0x45: {  	_ =	shalt  }
0x46: {  	_ =	shalt  }
0x47: {  	_ =	shalt  }
0x48: {  	_ =	shalt  }
0x49: {  	_ =	shalt  }
0x4a: {  	_ =	shalt  }
0x4b: {  	_ =	shalt  }
0x4c: {  	_ =	shalt  }
0x4d: {  	_ =	shalt  }
0x4e: {  	_ =	shalt  }
0x4f: {  	_ =	shalt  }
0x50: {  	_ =	shalt  }
0x51: {  	_ =	shalt  }
0x52: {  	_ =	shalt  }
0x53: {  	_ =	shalt  }
0x54: {  	_ =	shalt  }
0x55: {  	_ =	shalt  }
0x56: {  	_ =	shalt  }
0x57: {  	_ =	shalt  }
0x58: {  	_ =	shalt  }
0x59: {  	_ =	shalt  }
0x5a: {  	_ =	shalt  }
0x5b: {  	_ =	shalt  }
0x5c: {  	_ =	shalt  }
0x5d: {  	_ =	shalt  }
0x5e: {  	_ =	shalt  }
0x5f: {  	_ =	shalt  }
0x60: {  	_ =	shalt  }
0x61: {  	_ =	shalt  }
0x62: {  	_ =	shalt  }
0x63: {  	_ =	shalt  }
0x64: {  	_ =	shalt  }
0x65: {  	_ =	shalt  }
0x66: {  	_ =	shalt  }
0x67: {  	_ =	shalt  }
0x68: {  	_ =	shalt  }
0x69: {  	_ =	shalt  }
0x6a: {  	_ =	shalt  }
0x6b: {  	_ =	shalt  }
0x6c: {  	_ =	shalt  }
0x6d: {  	_ =	shalt  }
0x6e: {  	_ =	shalt  }
0x6f: {  	_ =	shalt  }
0x70: {  	_ =	shalt  }
0x71: {  	_ =	shalt  }
0x72: {  	_ =	shalt  }
0x73: {  	_ =	shalt  }
0x74: {  	_ =	shalt  }
0x75: {  	_ =	shalt  }
0x76: {  	_ =	shalt  }
0x77: {  	_ =	shalt  }
0x78: {  	_ =	shalt  }
0x79: {  	_ =	shalt  }
0x7a: {  	_ =	shalt  }
0x7b: {  	_ =	shalt  }
0x7c: {  	_ =	shalt  }
0x7d: {  	_ =	shalt  }
0x7e: {  	_ =	shalt  }
0x7f: {  	_ =	shalt  }
0x80: {  	_ =	shalt  }
0x81: {  	_ =	shalt  }
0x82: {  	_ =	shalt  }
0x83: {  	_ =	shalt  }
0x84: {  	_ =	shalt  }
0x85: {  	_ =	shalt  }
0x86: {  	_ =	shalt  }
0x87: {  	_ =	shalt  }
.Lfunc_end0:
.L_simem_size_0:
called_computation_lowered:
.L_overlay_start_0:
0x88: {  	s2 =	sld [smem:$0x3FD9]  }
0x89: {  	s3 =	sld [smem:$0x3FFE];
	_ =	sdelay $0x1  }
0x8a: {  	s1 =	srdreg.scid  }
0x8b: {  	s0 =	sand.u32 $0x1, s1  }
0x8c: {  	s17 =	sshll.u32 s0, $0xA;
	s2 =	sadd.s32 s3, s2  }
0x8d: {  	s2 =	sadd.s32 s2, s17  }
0x8e: {  	[smem:$0x3FC5] =	sst s2  }
0x8f: {  	_ = 	snop  }
0x90: {  	s2 =	sld [smem:$0x3FC9]  }
0x91: {  	s18 =	sld [smem:$0x3FC7]  }
0x92: {  	s4 =	sld [smem:$0x3FD0];
	(tm) =	ssettm $0x1  }
0x93: {  	s5 =	sld [smem:$0x3FFB];
	_ =	sdelay $0x3  }
0x94: {  	_ =	strace s5  }
0x95: {  	s5 =	sld [smem:$0x3FFC];
	_ =	sdelay $0x3  }
0x96: {  	_ =	strace s5  }
0x97: {  	s5 =	sld [smem:$0x3FFD];
	_ =	sdelay $0x3  }
0x98: {  	_ =	strace s5  }
0x99: {  	_ =	strace $0x8FFFFFFF  }
0x9a: {  	s19 =	sld [smem:$0x3FDB];
	_ =	sdelay $0x1  }
0x9b: {  	s6 =	simm.s32 $_scs_section_size  }
0x9c: {  	s7 =	simm.s32 $_size__tile_overlayer_lowered;
	s8 =	simm.s32 $_tile_overlayer_lowered  }
0x9d: {  	s22 =	simm.s32 $0x1BFF;
	s21 =	sshll.u32 s8, $0x1;
	s5 =	sadd.s32 s6, s19  }
0x9e: {  	s9 =	simm.s32 $0x0;
	s20 =	sshll.u32 s7, $0x1;
	s7 =	sadd.s32 s21, s5  }
0x9f: {  	[timem:s9], [sflag:s22] =	dma.local [hbm:s7], s20  }
0xa0: {  	_ =	swait.ge [sflag:s22], s20  }
0xa1: {  	s6 =	ssub.s32 $0x0, s20;
	[sflag:s22] =	ssyncset.done $0x0  }
0xa2: {  	[sflag:s22] =	ssyncadd.s32 s6;
	_ =	sdelay $0x1  }
0xa3: {  	s23 =	simm.s32 $0x1B8B  }
0xa4: {  	_ =	swait.ge [sflag:s23], $0x1  }
0xa5: {  	[sflag:s23] =	ssyncset.done $0x0  }
0xa6: {  	s25 =	simm.s32 $0x1B8E;
	s24 =	sld [smem:$0x3FFE];
	[sflag:s23] =	ssyncadd.s32 $0xFFFFFFFF  }
0xa7: {  	s26 =	simm.s32 $execute0_lowered;
	[smem:$0x3FD2] =	sst s25  }
0xa8: {  	s7 =	sshll.u32 s26, $0x1;
	_ =	strace $0x80000046;
	[dreg:$0x1] =	wrdreg $0xFFFFFFFF  }
0xa9: {  	s28 =	simm.s32 $_size_execute0_lowered;
	s5 =	sadd.s32 s5, s7;
	[dreg:$0x0] =	wrdreg $0x0  }
0xaa: {  	s7 =	sshll.u32 s28, $0x1;
	[dreg:$0x2] =	wrdreg s5  }
0xab: {  	[dreg:$0x3] =	wrdreg s7  }
0xac: {  	[dreg:$0x4] =	wrdreg $0xC0  }
0xad: {  	_ =	task [dreg:s9], $0x5FFFF  }
0xae: {  	[dreg:$0x1] =	wrdreg $0xFFFFFFFF  }
0xaf: {  	[dreg:$0x0] =	wrdreg $0x60  }
0xb0: {  	[dreg:$0x2] =	wrdreg s2  }
0xb1: {  	[dreg:$0x3] =	wrdreg s24  }
0xb2: {  	[dreg:$0x4] =	wrdreg s18  }
0xb3: {  	[dreg:$0x5] =	wrdreg s4  }
0xb4: {  	[dreg:$0x6] =	wrdreg $0x9  }
0xb5: {  	_ =	task.clear_ibuf [dreg:s9], $0x7FFFF;
	_ =	strace $0x90000046  }
0xb6: {  	s29 =	simm.s32 $0x9;
	_ =	strace $0x80000048  }
0xb7: {  	_ =	swait.ge [sflag:s29], $0x1  }
0xb8: {  	[sflag:s29] =	ssyncadd.s32 $0xFFFFFFFF  }
0xb9: {  	_ =	strace $0x90000048  }
0xba: {  	_ =	sfence  }
0xbb: {  	s30 =	sld [smem:$0x0];
	_ =	sdelay $0x2  }
0xbc: {  	s31 =	sshll.u32 s1, $0xD;
	s1 =	sshrl.u32 s1, $0x2  }
0xbd: {  	s3 =	sand.u32 $0x4000, s31;
	s1 =	sadd.s32 s1, s30  }
0xbe: {  	s0 =	sor.u32 s3, s0;
	s1 =	sshll.u32 s1, $0x11  }
0xbf: {  	s0 =	sor.u32 s1, s0  }
0xc0: {  	s0 =	sadd.s32 $0x8F2B, s0  }
0xc1: {  	[sflag:s0] =	ssyncadd.remote.s32 $0x1  }
0xc2: {  	_ =	sfence.sel $0xFFFF  }
0xc3: {  	[dreg:$0x0] =	wrdreg $0xFFFFFFFF;
	(pc) =	sbr.abs _section_cstart, $3  }
0xc4: {  	[dreg:$0x1] =	wrdreg $0xFFFFFFFF  }
0xc5: {  	_ =	task.clear_ibuf [dreg:s9], $0x2FFFF;
	_ =	strace $0x9FFFFFFF  }
0xc6: {  	(tm) =	ssettm $0x7FFFFFFF  }
0xc7: {  	_ =	shalt  }
tec
execute0_lowered:
.L_overlay_start_1:
0x0: {  	(tag) =	ssettag $0x1  }
0x1: {  	s0 =	rddreg [dreg:$0x0]  }
0x2: {  	s1 =	rddreg [dreg:$0x1]  }
0x3: {  	s3 =	rddreg [dreg:$0x3];
	s4 =	srdreg.scid  }
0x4: {  	s2 =	stileid.u32;
	s10 =	simm.s32 $0x400;
	s11 =	simm.s32 $0x8000  }
0x5: {  	s12 =	simm.s32 $0x2000;
	s15 =	simm.s32 $0x80;
	s17 =	simm.s32 $0x8800  }
0x6: {  	s18 =	simm.s32 $0x2100;
	s19 =	simm.s32 $0xC800;
	s20 =	simm.s32 $0x2180  }
0x7: {  	s21 =	simm.s32 $0x10800;
	s22 =	simm.s32 $0x8;
	s23 =	simm.s32 $0x6  }
0x8: {  	s24 =	simm.s32 $0x7;
	s25 =	simm.s32 $0x0;
	s5 =	sand.u32 $0x1, s4  }
0x9: {  	s4 =	simm.s32 $0x0;
	s6 =	sshll.u32 s2, $0xB;
	s7 =	sshll.u32 s5, $0xA  }
0xa: {  	v0 =	vlaneseq.u32;
	[smem:$0x7FF] =	sst s4;
	s8 =	ssub.s32 $0x2, s5;
	s5 =	sor.u32 s7, s6  }
0xb: {  	v0 =	vmul.u32 $0x80, v0;
	_ =	strace $0x80000047;
	s30 =	sshrl.u32 s8, $0x1;
	s9 =	sshrl.u32 s5, $0x3  }
0xc: {  	s6 =	sadd.s32 $0x400, s1;
	s31 =	ssub.s32 s8, s30;
	s7 =	sadd.s32 s0, s9  }
0xd: {  	v1 =	vor.u32 $0x800, v0;
	v2 =	vor.u32 $0x1000, v0;
	v3 =	vor.u32 $0x1800, v0;
	s8 =	smax.u32 s31, $0x1;
	s9 =	simm.s32 $0x9;
	s13 =	sadd.s32 $0x9000, s7  }
.LBB2_1:
0xe: {  	s0 =	rddreg [dreg:$0x2]  }
0xf: {  	[tilespmem:s4], [sflag:$0x9] =	stream.linear.gather [hbm4b:s0+s4], $0x2000, $0x38;
	[tilespmem:$0x1E800] =	vst v63  }
0x10: {  	_ =	swait.ge [sflag:s9], $0x2000  }
0x11: {  	[sflag:s9] =	ssyncset.done $0x0  }
0x12: {  	[sflag:s9] =	ssyncadd.s32 $0xFFFFE000  }
0x13: {  	[tilespmem:s12], [sflag:$0x9] =	stream.strided.gather [hbm4b:s7+s10], $0x2400, s11, s10, $0x38;
	[tilespmem:$0x1E800] =	vst v63  }
0x14: {  	s30 =	simm.s32 $0x4400  }
0x15: {  	[tilespmem:s30], [sflag:$0x9] =	stream.linear.gather [hbm4b:s13+s4], $0x280, $0x38;
	[tilespmem:$0x1E800] =	vst v63  }
0x16: {  	_ =	swait.ge [sflag:s9], $0x2680  }
0x17: {  	[sflag:s9] =	ssyncset.done $0x0  }
0x18: {  	s26 =	simm.s32 $0x4800;
	[sflag:s9] =	ssyncadd.s32 $0xFFFFD980  }
0x19: {  	[tilespmem:s26], [sflag:$0x1] =	stream.indirect.gather [hbm4b:s6+s15], $0x80, s12, s15, $0xb8;
	[tilespmem:$0x1E800] =	vst v63  }
0x1a: {  	s31 =	simm.s32 $0x2080  }
0x1b: {  	[tilespmem:s17], [sflag:$0x2] =	stream.indirect.gather [hbm4b:s6+s15], $0x80, s31, s15, $0xb8;
	[tilespmem:$0x1E800] =	vst v63  }
0x1c: {  	_ = 	snop  }
0x1d: {  	[tilespmem:s19], [sflag:$0x3] =	stream.indirect.gather [hbm4b:s6+s15], $0x80, s18, s15, $0xb8;
	[tilespmem:$0x1E800] =	vst v63  }
0x1e: {  	s28 =	simm.s32 $0x0  }
0x1f: {  	[tilespmem:s21], [sflag:$0x4] =	stream.indirect.gather [hbm4b:s6+s15], $0x80, s20, s15, $0xb8;
	[tilespmem:$0x1E800] =	vst v63  }
.LBB2_2:
0x20: {  	p1 =	sgt.u32 s28, $0x48  }
0x21: {  	s0 =	sadd.s32 @!p1 $0x4, s28  }
0x22: {  	p0 =	slt.u32 s28, $0x3;
	s1 =	smul.u32 @!p1 $0xCD, s0  }
0x23: {  	s30 =	smul.u32 $0xCD, s28;
	s31 =	sadd.s32 @!p0 $0xFFFFFFFD, s28  }
0x24: {  	s2 =	sand.u32 @!p0 $0xFF, s31;
	s1 =	sshrl.u32 @!p1 s1, $0xA  }
0x25: {  	s30 =	sshrl.u32 s30, $0xA;
	s2 =	smul.u32 @!p0 $0xAB, s2;
	s1 =	sand.u32 @!p1 $0x3F, s1  }
0x26: {  	s30 =	sand.u32 $0x3F, s30;
	s1 =	smul.u32 @!p1 $0x5, s1  }
0x27: {  	s30 =	smul.u32 $0x5, s30  }
0x28: {  	s14 =	simm.s32 @!p1 $0x80;
	s2 =	sshrl.u32 @!p0 s2, $0x9;
	s1 =	ssub.s32 @!p1 s0, s1  }
0x29: {  	s16 =	ssub.s32 s28, s30;
	s0 =	sshll.u32 @!p1 s0, $0x7;
	s1 =	sand.u32 @!p1 $0xFF, s1  }
0x2a: {  	s2 =	smul.u32 @!p0 $0x3, s2;
	s0 =	sand.u32 @!p1 $0x3FFFFF80, s0;
	s29 =	sshll.u32 @!p1 s1, $0xE  }
0x2b: {  	s0 =	sadd.s32 @!p1 $0x2000, s0;
	s1 =	sadd.s32 @!p1 $0x1, s1;
	s29 =	sadd.s32 @!p1 $0x4800, s29  }
0x2c: {  	v4 =	vmov s28;
	[tilespmem:s29], [sflag:s1] =	stream.indirect.gather @!p1 [hbm4b:s6+s14], $0x80, s0, s14, $0xb8;
	[tilespmem:$0x1E800] =	vst v63  }
0x2d: {  	v4 =	vand.u32 $0x7F, v4;
	s14 =	smulhi.u32 $0xCCCCCCCD, s28;
	s1 =	sand.u32 $0xFF, s16  }
0x2e: {  	v4 =	vbroadcast v4, $0x0;
	s1 =	sadd.s32 $0x1, s1  }
0x2f: {  	s2 =	ssub.s32 @!p0 s31, s2;
	s0 =	sshrl.u32 s14, $0x2;
	_ =	swait.ge [sflag:s1], $0x4000  }
0x30: {  	v5 =	vor.u32 v0, v4;
	s2 =	sand.u32 @!p0 $0xFF, s2;
	s0 =	smul.u32 $0xFFFB0000, s0;
	[sflag:s1] =	ssyncset.done $0x0  }
0x31: {  	v6 =	vor.u32 v1, v4;
	[sflag:s1] =	ssyncadd.s32 $0xFFFFC000;
	s1 =	sadd.s32 @!p0 $0x6, s2  }
0x32: {  	v9 =	vor.u32 v2, v4;
	s0 =	sshra.s32 s0, $0x2;
	_ =	swait.ge @!p0 [sflag:s1], $0x2000  }
0x33: {  	v4 =	vor.u32 v3, v4;
	s0 =	sadd.s32 s0, s26;
	[sflag:s1] =	ssyncset.done @!p0 $0x0  }
0x34: {  	s14 =	simm.s32 $0x0;
	[sflag:s1] =	ssyncadd.s32 @!p0 $0xFFFFE000;
	v8 =	vmov s0  }
0x35: {  	v7 =	vld.idx.msk [tilespmem:v5+s14+$0x0], $0xffff  }
0x36: {  	v6 =	vld.idx.msk [tilespmem:v6+s14+$0x0], $0xffff  }
0x37: {  	v5 =	vld.idx.msk [tilespmem:v9+s14+$0x0], $0xffff  }
0x38: {  	s0 =	simm.s32 $0x0;
	v4 =	vld.idx.msk [tilespmem:v4+s14+$0x0], $0xffff  }
0x39: {  	v13 =	vld.idx.msk [tilespmem:v8+s0+$0x1B0 ss:$0x1], $0xffff  }
0x3a: {  	v17 =	vld.idx.msk [tilespmem:v8+s0+$0x200 ss:$0x1], $0xffff  }
0x3b: {  	v29 =	vld.idx.msk [tilespmem:v8+s0+$0x210 ss:$0x1], $0xffff  }
0x3c: {  	v32 =	vld.idx.msk [tilespmem:v8+s0+$0x220 ss:$0x1], $0xffff  }
0x3d: {  	v34 =	vld.idx.msk [tilespmem:v8+s0+$0x230 ss:$0x1], $0xffff  }
0x3e: {  	v18 =	vld.idx.msk [tilespmem:v8+s0+$0x130 ss:$0x1], $0xffff  }
0x3f: {  	v16 =	vld.idx.msk [tilespmem:v8+s0+$0x2A0 ss:$0x1], $0xffff  }
0x40: {  	v14 =	vld.idx.msk [tilespmem:v8+s0+$0x300 ss:$0x1], $0xffff  }
0x41: {  	v15 =	vld.idx.msk [tilespmem:v8+s0+$0x2B0 ss:$0x1], $0xffff  }
0x42: {  	v20 =	vld.idx.msk [tilespmem:v8+s0+$0x280 ss:$0x1], $0xffff  }
0x43: {  	v21 =	vld.idx.msk [tilespmem:v8+s0+$0x1A0 ss:$0x1], $0xffff  }
0x44: {  	v19 =	vld.idx.msk [tilespmem:v8+s0+$0x180 ss:$0x1], $0xffff  }
0x45: {  	v37 =	vld.idx.msk [tilespmem:v8+s0+$0xB0 ss:$0x1], $0xffff  }
0x46: {  	v12 =	vld.idx.msk [tilespmem:v8+s0+$0x380 ss:$0x1], $0xffff  }
0x47: {  	v42 =	vld.idx.msk [tilespmem:v8+s0+$0x100 ss:$0x1], $0xffff  }
0x48: {  	v22 =	vld.idx.msk [tilespmem:v8+s0+$0x190 ss:$0x1], $0xffff  }
0x49: {  	s31 =	simm.s32 $0x7;
	s16 =	simm.s32 $0x4;
	v23 =	vld.idx.msk [tilespmem:v8+s0+$0x110 ss:$0x1], $0xffff  }
0x4a: {  	v25 =	vmov s31;
	v9 =	vmov s16;
	s14 =	simm.s32 $0x5;
	s16 =	simm.s32 $0x6;
	v28 =	vld.idx.msk [tilespmem:v8+s0+$0xA0 ss:$0x1], $0xffff  }
0x4b: {  	s2 =	simm.s32 $0x0;
	v9 =	vand.u32 $0x7C, v9;
	v11 =	vmov s14;
	v24 =	vmov s16;
	v39 =	vld.idx.msk [tilespmem:v8+s0+$0x80 ss:$0x1], $0xffff  }
0x4c: {  	s14 =	smul.u32 $0xAB, s28;
	v10 =	vbroadcast v9, $0x0;
	v9 =	vmov s2;
	v11 =	vand.u32 $0x7D, v11;
	v27 =	vld.idx.msk [tilespmem:v8+s0+$0x20 ss:$0x1], $0xffff  }
0x4d: {  	v24 =	vand.u32 $0x7E, v24;
	v9 =	vand.u32 $0x78, v9;
	v11 =	vbroadcast v11, $0x0;
	v35 =	vld.idx.msk [tilespmem:v8+s0+$0x10 ss:$0x1], $0xffff  }
0x4e: {  	v44 =	vand.u32 $0x7F, v25;
	s1 =	sshrl.u32 s14, $0x9;
	s14 =	simm.s32 $0x2;
	v30 =	vld.idx.msk [tilespmem:v8+s0+$0x30 ss:$0x1], $0xffff;
	v33 =	vbroadcast v9, $0x0;
	v9 =	vbroadcast v24, $0x0  }
0x4f: {  	v38 =	vld.idx.msk [tilespmem:v8+s0+$0x0 ss:$0x1], $0xffff;
	v54 =	vmov s14;
	v26 =	vadd.f32 v18, v4;
	v25 =	vadd.f32 v19, v7  }
0x50: {  	v40 =	vld.idx.msk [tilespmem:v8+s0+$0x90 ss:$0x1], $0xffff;
	v43 =	vor.u32 v0, v33;
	v24 =	vadd.f32 v21, v5;
	v20 =	vadd.f32 v20, v7  }
0x51: {  	s1 =	sand.u32 $0x7F, s1;
	v49 =	vld.idx.msk [tilespmem:v8+s0+$0x120 ss:$0x1], $0xffff;
	v46 =	vor.u32 v1, v33;
	v50 =	vadd.f32 v27, v5;
	v27 =	vadd.f32 v13, v4  }
0x52: {  	v31 =	vld.idx.msk [tilespmem:v8+s0+$0x290 ss:$0x1], $0xffff;
	s1 =	smul.u32 $0x3, s1;
	v48 =	vor.u32 v2, v33;
	v51 =	vadd.f32 v35, v6;
	v35 =	vadd.f32 v28, v5  }
0x53: {  	s16 =	simm.s32 $0x1;
	v52 =	vor.u32 v3, v33;
	v19 =	vld.idx.msk [tilespmem:v8+s0+$0x320 ss:$0x1], $0xffff;
	v53 =	vadd.f32 v30, v4;
	v28 =	vadd.f32 v17, v7  }
0x54: {  	s1 =	ssub.s32 s28, s1;
	v18 =	vmov s16;
	v21 =	vld.idx.msk [tilespmem:v8+s0+$0x330 ss:$0x1], $0xffff;
	v55 =	vadd.f32 v38, v7;
	v33 =	vadd.f32 v22, v6  }
0x55: {  	s29 =	sand.u32 $0xFF, s1;
	v17 =	vld.idx.msk [tilespmem:v8+s0+$0x3B0 ss:$0x1], $0xffff;
	v29 =	vadd.f32 v29, v6;
	v45 =	vadd.f32 v39, v7;
	v18 =	vand.u32 $0x79, v18  }
0x56: {  	s1 =	sshll.u32 s29, $0xD;
	v22 =	vld.idx.msk [tilespmem:v8+s0+$0x3A0 ss:$0x1], $0xffff;
	v41 =	vadd.f32 v40, v6;
	v32 =	vadd.f32 v32, v5;
	v13 =	vbroadcast v18, $0x0  }
0x57: {  	v54 =	vand.u32 $0x7A, v54;
	v30 =	vld.idx.msk [tilespmem:v8+s0+$0x310 ss:$0x1], $0xffff;
	v40 =	vadd.f32 v37, v4;
	v37 =	vadd.f32 v49, v5;
	s30 =	sor.u32 $0x18800, s1  }
0x58: {  	v42 =	vadd.f32 v42, v7;
	v18 =	vld.idx.msk [tilespmem:v8+s0+$0x390 ss:$0x1], $0xffff;
	[tilespmem:v43+s30+$0x0] =	vst.idx.msk $0xffff, v55;
	v47 =	vor.u32 v0, v13  }
0x59: {  	v34 =	vadd.f32 v34, v4;
	v43 =	vbroadcast v54, $0x0;
	[tilespmem:v46+s30+$0x0] =	vst.idx.msk $0xffff, v51;
	v38 =	vor.u32 v1, v13  }
0x5a: {  	s16 =	simm.s32 $0x3;
	v36 =	vor.u32 v2, v13;
	v39 =	vor.u32 v3, v13;
	v13 =	vbroadcast v44, $0x0;
	[tilespmem:v48+s30+$0x0] =	vst.idx.msk $0xffff, v50  }
0x5b: {  	s0 =	simm.s32 $0x1000;
	v48 =	vmov s16;
	v46 =	vor.u32 v0, v43;
	v44 =	vor.u32 v1, v43;
	[tilespmem:v52+s30+$0x0] =	vst.idx.msk $0xffff, v53  }
.LBB2_3:
0x5c: {  	p0 =	sne.s32 s0, $0xF000  }
0x5d: {  	[tilespmem:v47+s30+$0x0] =	vst.idx.msk $0xffff, v45;
	v45 =	vand.u32 $0x7B, v48;
	s31 =	sadd.s32 $0x8, s31;
	s1 =	smov.u32 s0;
	s0 =	sadd.s32 $0x1000, s0  }
0x5e: {  	s2 =	sadd.s32 $0xFFFFFFFD, s31;
	s14 =	sadd.s32 $0xFFFFFFFE, s31;
	s16 =	sadd.s32 $0xFFFFFFFF, s31;
	v47 =	vmov s31;
	[tilespmem:v38+s30+$0x0] =	vst.idx.msk $0xffff, v41;
	v38 =	vor.u32 v2, v43;
	v41 =	vbroadcast v45, $0x0  }
0x5f: {  	v31 =	vadd.f32 v31, v6;
	v45 =	vmov s2;
	[tilespmem:v36+s30+$0x0] =	vst.idx.msk $0xffff, v35;
	v35 =	vor.u32 v3, v43  }
0x60: {  	v23 =	vadd.f32 v23, v6;
	v36 =	vand.u32 $0x7C, v45;
	[tilespmem:v39+s30+$0x0] =	vst.idx.msk $0xffff, v40;
	v39 =	vor.u32 v0, v41  }
0x61: {  	v16 =	vadd.f32 v16, v5;
	v40 =	vor.u32 v1, v41;
	v36 =	vbroadcast v36, $0x0;
	[tilespmem:v46+s30+$0x0] =	vst.idx.msk $0xffff, v42  }
0x62: {  	v43 =	vmov s16;
	v42 =	vmov s14;
	[tilespmem:v44+s30+$0x0] =	vst.idx.msk $0xffff, v23;
	v23 =	vor.u32 v2, v41  }
0x63: {  	v15 =	vadd.f32 v15, v4;
	v42 =	vand.u32 $0x7D, v42;
	[tilespmem:v38+s30+$0x0] =	vst.idx.msk $0xffff, v37;
	v37 =	vor.u32 v3, v41  }
0x64: {  	v38 =	vbroadcast v42, $0x0;
	v41 =	vand.u32 $0x7E, v43;
	[tilespmem:v35+s30+$0x0] =	vst.idx.msk $0xffff, v26;
	v26 =	vor.u32 v0, v10  }
0x65: {  	v14 =	vadd.f32 v14, v7;
	v35 =	vbroadcast v41, $0x0;
	[tilespmem:v39+s30+$0x0] =	vst.idx.msk $0xffff, v25;
	v25 =	vor.u32 v1, v10  }
0x66: {  	v39 =	vand.u32 $0x7F, v47;
	[tilespmem:v40+s30+$0x0] =	vst.idx.msk $0xffff, v33;
	v33 =	vor.u32 v2, v10  }
0x67: {  	v30 =	vadd.f32 v30, v6;
	v39 =	vbroadcast v39, $0x0;
	[tilespmem:v23+s30+$0x0] =	vst.idx.msk $0xffff, v24;
	v23 =	vor.u32 v3, v10  }
0x68: {  	v24 =	vor.u32 v0, v11;
	v10 =	vmov v36;
	[tilespmem:v37+s30+$0x0] =	vst.idx.msk $0xffff, v27  }
0x69: {  	[tilespmem:v26+s30+$0x0] =	vst.idx.msk $0xffff, v28;
	v26 =	vor.u32 v1, v11  }
0x6a: {  	v19 =	vadd.f32 v19, v5;
	[tilespmem:v25+s30+$0x0] =	vst.idx.msk $0xffff, v29;
	v25 =	vor.u32 v2, v11  }
0x6b: {  	v27 =	vor.u32 v3, v11;
	v11 =	vmov v38;
	[tilespmem:v33+s30+$0x0] =	vst.idx.msk $0xffff, v32  }
0x6c: {  	[tilespmem:v23+s30+$0x0] =	vst.idx.msk $0xffff, v34;
	v23 =	vor.u32 v0, v9  }
0x6d: {  	[tilespmem:v24+s30+$0x0] =	vst.idx.msk $0xffff, v20;
	v20 =	vor.u32 v1, v9  }
0x6e: {  	v21 =	vadd.f32 v21, v4;
	v24 =	vor.u32 v2, v9;
	[tilespmem:v26+s30+$0x0] =	vst.idx.msk $0xffff, v31  }
0x6f: {  	[tilespmem:v25+s30+$0x0] =	vst.idx.msk $0xffff, v16;
	v16 =	vor.u32 v3, v9;
	v9 =	vmov v35  }
0x70: {  	v12 =	vadd.f32 v12, v7;
	[tilespmem:v27+s30+$0x0] =	vst.idx.msk $0xffff, v15;
	v15 =	vor.u32 v0, v13  }
0x71: {  	v18 =	vadd.f32 v18, v6;
	[tilespmem:v23+s30+$0x0] =	vst.idx.msk $0xffff, v14;
	v14 =	vor.u32 v1, v13  }
0x72: {  	v22 =	vadd.f32 v22, v5;
	[tilespmem:v20+s30+$0x0] =	vst.idx.msk $0xffff, v30;
	v20 =	vor.u32 v2, v13  }
0x73: {  	v17 =	vadd.f32 v17, v4;
	[tilespmem:v24+s30+$0x0] =	vst.idx.msk $0xffff, v19;
	v19 =	vor.u32 v3, v13;
	v13 =	vmov v39  }
0x74: {  	s2 =	sadd.s32 $0xFFFFFFF9, s31;
	[tilespmem:v16+s30+$0x0] =	vst.idx.msk $0xffff, v21  }
0x75: {  	s1 =	sshra.s32 s1, $0x2;
	v16 =	vmov s2;
	[tilespmem:v15+s30+$0x0] =	vst.idx.msk $0xffff, v12  }
0x76: {  	v12 =	vand.u32 $0x78, v16;
	[tilespmem:v14+s30+$0x0] =	vst.idx.msk $0xffff, v18  }
0x77: {  	v12 =	vbroadcast v12, $0x0;
	[tilespmem:v20+s30+$0x0] =	vst.idx.msk $0xffff, v22  }
0x78: {  	[tilespmem:v19+s30+$0x0] =	vst.idx.msk $0xffff, v17  }
0x79: {  	v34 =	vor.u32 v0, v12;
	v17 =	vld.idx.msk [tilespmem:v8+s1+$0x1B0 ss:$0x1], $0xffff  }
0x7a: {  	v42 =	vor.u32 v1, v12;
	v22 =	vld.idx.msk [tilespmem:v8+s1+$0x200 ss:$0x1], $0xffff  }
0x7b: {  	v44 =	vor.u32 v2, v12;
	v29 =	vld.idx.msk [tilespmem:v8+s1+$0x210 ss:$0x1], $0xffff  }
0x7c: {  	v46 =	vor.u32 v3, v12;
	v32 =	vld.idx.msk [tilespmem:v8+s1+$0x220 ss:$0x1], $0xffff  }
0x7d: {  	v48 =	vld.idx.msk [tilespmem:v8+s1+$0x230 ss:$0x1], $0xffff  }
0x7e: {  	v18 =	vld.idx.msk [tilespmem:v8+s1+$0x130 ss:$0x1], $0xffff  }
0x7f: {  	v16 =	vld.idx.msk [tilespmem:v8+s1+$0x2A0 ss:$0x1], $0xffff  }
0x80: {  	v14 =	vld.idx.msk [tilespmem:v8+s1+$0x300 ss:$0x1], $0xffff  }
0x81: {  	v15 =	vld.idx.msk [tilespmem:v8+s1+$0x2B0 ss:$0x1], $0xffff  }
0x82: {  	v20 =	vld.idx.msk [tilespmem:v8+s1+$0x280 ss:$0x1], $0xffff  }
0x83: {  	v19 =	vld.idx.msk [tilespmem:v8+s1+$0x1A0 ss:$0x1], $0xffff  }
0x84: {  	v21 =	vld.idx.msk [tilespmem:v8+s1+$0x180 ss:$0x1], $0xffff  }
0x85: {  	v37 =	vld.idx.msk [tilespmem:v8+s1+$0xB0 ss:$0x1], $0xffff  }
0x86: {  	v12 =	vld.idx.msk [tilespmem:v8+s1+$0x380 ss:$0x1], $0xffff  }
0x87: {  	v49 =	vld.idx.msk [tilespmem:v8+s1+$0x100 ss:$0x1], $0xffff  }
0x88: {  	v30 =	vld.idx.msk [tilespmem:v8+s1+$0x190 ss:$0x1], $0xffff  }
0x89: {  	v23 =	vld.idx.msk [tilespmem:v8+s1+$0x110 ss:$0x1], $0xffff  }
0x8a: {  	v28 =	vld.idx.msk [tilespmem:v8+s1+$0xA0 ss:$0x1], $0xffff  }
0x8b: {  	v39 =	vld.idx.msk [tilespmem:v8+s1+$0x80 ss:$0x1], $0xffff  }
0x8c: {  	v33 =	vld.idx.msk [tilespmem:v8+s1+$0x30 ss:$0x1], $0xffff  }
0x8d: {  	v26 =	vadd.f32 v18, v4;
	v27 =	vld.idx.msk [tilespmem:v8+s1+$0x20 ss:$0x1], $0xffff  }
0x8e: {  	v25 =	vadd.f32 v21, v7;
	v18 =	vld.idx.msk [tilespmem:v8+s1+$0x10 ss:$0x1], $0xffff  }
0x8f: {  	v40 =	vld.idx.msk [tilespmem:v8+s1+$0x90 ss:$0x1], $0xffff  }
0x90: {  	s2 =	sadd.s32 $0xFFFFFFFA, s31;
	v24 =	vadd.f32 v19, v5;
	v38 =	vld.idx.msk [tilespmem:v8+s1+$0x0 ss:$0x1], $0xffff  }
0x91: {  	v20 =	vadd.f32 v20, v7;
	v21 =	vmov s2;
	v19 =	vld.idx.msk [tilespmem:v8+s1+$0x320 ss:$0x1], $0xffff  }
0x92: {  	v21 =	vand.u32 $0x79, v21;
	v43 =	vld.idx.msk [tilespmem:v8+s1+$0x120 ss:$0x1], $0xffff  }
0x93: {  	v51 =	vbroadcast v21, $0x0;
	v50 =	vadd.f32 v27, v5;
	v27 =	vadd.f32 v17, v4;
	v31 =	vld.idx.msk [tilespmem:v8+s1+$0x290 ss:$0x1], $0xffff  }
0x94: {  	v35 =	vadd.f32 v28, v5;
	v52 =	vadd.f32 v18, v6;
	v21 =	vld.idx.msk [tilespmem:v8+s1+$0x330 ss:$0x1], $0xffff  }
0x95: {  	s2 =	sadd.s32 $0xFFFFFFFB, s31;
	v36 =	vor.u32 v2, v51;
	v28 =	vadd.f32 v22, v7;
	v53 =	vadd.f32 v33, v4;
	v18 =	vld.idx.msk [tilespmem:v8+s1+$0x390 ss:$0x1], $0xffff  }
0x96: {  	v41 =	vmov s2;
	v33 =	vadd.f32 v30, v6;
	v54 =	vadd.f32 v38, v7;
	v17 =	vld.idx.msk [tilespmem:v8+s1+$0x3B0 ss:$0x1], $0xffff  }
0x97: {  	v29 =	vadd.f32 v29, v6;
	v55 =	vand.u32 $0x7A, v41;
	v38 =	vor.u32 v1, v51;
	v22 =	vld.idx.msk [tilespmem:v8+s1+$0x3A0 ss:$0x1], $0xffff  }
.Ltmp0:
0x98: {  	v47 =	vor.u32 v0, v51;
	v45 =	vadd.f32 v39, v7;
	v41 =	vadd.f32 v40, v6;
	v30 =	vld.idx.msk [tilespmem:v8+s1+$0x310 ss:$0x1], $0xffff;
	(pc) =	sbr.rel @p0 .LBB2_3-.Ltmp0, $4  }
0x99: {  	v32 =	vadd.f32 v32, v5;
	v39 =	vor.u32 v3, v51;
	[tilespmem:v34+s30+$0x0] =	vst.idx.msk $0xffff, v54  }
0x9a: {  	v40 =	vadd.f32 v37, v4;
	v37 =	vadd.f32 v43, v5;
	v43 =	vbroadcast v55, $0x0;
	[tilespmem:v42+s30+$0x0] =	vst.idx.msk $0xffff, v52  }
0x9b: {  	s1 =	sadd.s32 $0xFFFFFFFC, s31;
	v34 =	vadd.f32 v48, v4;
	v42 =	vadd.f32 v49, v7;
	[tilespmem:v44+s30+$0x0] =	vst.idx.msk $0xffff, v50  }
0x9c: {  	v48 =	vmov s1;
	v44 =	vor.u32 v1, v43;
	[tilespmem:v46+s30+$0x0] =	vst.idx.msk $0xffff, v53;
	v46 =	vor.u32 v0, v43  }
0x9d: {  	_ =	sdelay $0x3  }
0x9e: {  	[tilespmem:v47+s30+$0x0] =	vst.idx.msk $0xffff, v45;
	v8 =	vand.u32 $0x7B, v48  }
0x9f: {  	v60 =	vor.u32 v2, v43;
	[tilespmem:v38+s30+$0x0] =	vst.idx.msk $0xffff, v41;
	v8 =	vbroadcast v8, $0x0  }
0xa0: {  	v61 =	vor.u32 v3, v43;
	[tilespmem:v36+s30+$0x0] =	vst.idx.msk $0xffff, v35  }
0xa1: {  	v23 =	vadd.f32 v23, v6;
	[tilespmem:v39+s30+$0x0] =	vst.idx.msk $0xffff, v40;
	v62 =	vor.u32 v0, v8  }
0xa2: {  	v63 =	vor.u32 v1, v8;
	[tilespmem:v46+s30+$0x0] =	vst.idx.msk $0xffff, v42  }
0xa3: {  	v41 =	vor.u32 v2, v8;
	[tilespmem:v44+s30+$0x0] =	vst.idx.msk $0xffff, v23  }
0xa4: {  	v8 =	vor.u32 v3, v8;
	[tilespmem:v60+s30+$0x0] =	vst.idx.msk $0xffff, v37  }
0xa5: {  	v42 =	vor.u32 v0, v10;
	[tilespmem:v61+s30+$0x0] =	vst.idx.msk $0xffff, v26  }
0xa6: {  	v43 =	vor.u32 v1, v10;
	[tilespmem:v62+s30+$0x0] =	vst.idx.msk $0xffff, v25  }
0xa7: {  	v44 =	vor.u32 v2, v10;
	[tilespmem:v63+s30+$0x0] =	vst.idx.msk $0xffff, v33  }
0xa8: {  	v45 =	vor.u32 v3, v10;
	[tilespmem:v41+s30+$0x0] =	vst.idx.msk $0xffff, v24  }
0xa9: {  	v46 =	vor.u32 v0, v11;
	[tilespmem:v8+s30+$0x0] =	vst.idx.msk $0xffff, v27  }
0xaa: {  	v47 =	vor.u32 v1, v11;
	[tilespmem:v42+s30+$0x0] =	vst.idx.msk $0xffff, v28  }
0xab: {  	v48 =	vor.u32 v2, v11;
	[tilespmem:v43+s30+$0x0] =	vst.idx.msk $0xffff, v29  }
0xac: {  	v49 =	vor.u32 v3, v11;
	[tilespmem:v44+s30+$0x0] =	vst.idx.msk $0xffff, v32  }
0xad: {  	v50 =	vadd.f32 v31, v6;
	v51 =	vor.u32 v0, v9;
	[tilespmem:v45+s30+$0x0] =	vst.idx.msk $0xffff, v34  }
0xae: {  	v16 =	vadd.f32 v16, v5;
	v52 =	vor.u32 v1, v9;
	[tilespmem:v46+s30+$0x0] =	vst.idx.msk $0xffff, v20  }
0xaf: {  	v15 =	vadd.f32 v15, v4;
	v53 =	vor.u32 v2, v9;
	[tilespmem:v47+s30+$0x0] =	vst.idx.msk $0xffff, v50  }
0xb0: {  	v14 =	vadd.f32 v14, v7;
	v54 =	vor.u32 v3, v9;
	[tilespmem:v48+s30+$0x0] =	vst.idx.msk $0xffff, v16  }
0xb1: {  	v55 =	vadd.f32 v30, v6;
	v56 =	vor.u32 v0, v13;
	[tilespmem:v49+s30+$0x0] =	vst.idx.msk $0xffff, v15  }
0xb2: {  	v57 =	vadd.f32 v19, v5;
	v58 =	vor.u32 v1, v13;
	[tilespmem:v51+s30+$0x0] =	vst.idx.msk $0xffff, v14  }
0xb3: {  	v59 =	vadd.f32 v21, v4;
	v60 =	vor.u32 v2, v13;
	[tilespmem:v52+s30+$0x0] =	vst.idx.msk $0xffff, v55  }
0xb4: {  	s0 =	sshll.u32 s28, $0x12;
	s28 =	sadd.s32 $0x1, s28;
	v61 =	vadd.f32 v12, v7;
	v62 =	vor.u32 v3, v13;
	[tilespmem:v53+s30+$0x0] =	vst.idx.msk $0xffff, v57  }
0xb5: {  	p0 =	sne.s32 s28, $0x4D;
	v63 =	vadd.f32 v18, v6;
	[tilespmem:v54+s30+$0x0] =	vst.idx.msk $0xffff, v59  }
.Ltmp1:
0xb6: {  	v5 =	vadd.f32 v22, v5;
	[tilespmem:v56+s30+$0x0] =	vst.idx.msk $0xffff, v61;
	(pc) =	sbr.rel @p0 .LBB2_2-.Ltmp1, $4  }
0xb7: {  	v4 =	vadd.f32 v17, v4;
	s0 =	sor.u32 s5, s0;
	[tilespmem:v58+s30+$0x0] =	vst.idx.msk $0xffff, v63  }
0xb8: {  	s0 =	sshrl.u32 s0, $0x3;
	[tilespmem:v60+s30+$0x0] =	vst.idx.msk $0xffff, v5  }
0xb9: {  	s1 =	sadd.s32 $0x6, s29;
	s26 =	sadd.s32 $0x4000, s26;
	s0 =	sadd.s32 s3, s0;
	[tilespmem:v62+s30+$0x0] =	vst.idx.msk $0xffff, v4  }
0xba: {  	[hbm4b:s0+s10] =	stream.strided.scatter [tilespmem:s30], [sflag:s1], $0x2000, s11, s10, $0x38;
	[tilespmem:$0x1E800] =	vst v63  }
0xbb: {  	_ =	swait.ge [sflag:s22], $0x2000  }
0xbc: {  	[sflag:s22] =	ssyncset.done $0x0  }
0xbd: {  	s25 =	sadd.s32 $0x1, s25;
	[sflag:s22] =	ssyncadd.s32 $0xFFFFE000  }
0xbe: {  	p0 =	sne.s32 s25, s8;
	_ =	swait.ge [sflag:s23], $0x2000  }
.Ltmp2:
0xbf: {  	[sflag:s23] =	ssyncset.done $0x0;
	(pc) =	sbr.rel @p0 .LBB2_1-.Ltmp2, $4  }
0xc0: {  	[sflag:s23] =	ssyncadd.s32 $0xFFFFE000  }
0xc1: {  	_ =	swait.ge [sflag:s24], $0x2000  }
0xc2: {  	[sflag:s24] =	ssyncset.done $0x0  }
0xc3: {  	[sflag:s24] =	ssyncadd.s32 $0xFFFFE000  }
0xc4: {  	_ =	sfence.sel $0x180000  }
0xc5: {  	[bflag:$0x0] =	sbarrier.arrive $0xFFFF  }
0xc6: {  	_ =	strace $0x90000047  }
0xc7: {  	s0 =	stileid.u32;
	[bflag:$0x2] =	sbarrier.arrive $0xFFFF  }
0xc8: {  	p0 =	sne.s32 s0, $0x0;
	s0 =	rddreg [dreg:$0x4]  }
0xc9: {  	s0 =	sadd.s32 @!p0 $0x100000, s0  }
0xca: {  	[sflag:s0] =	ssyncadd.tile.s32 @!p0 $0x1;
	_ =	shalt  }
.Lfunc_end2:
_tile_overlayer_lowered:
.L_overlay_start_2:
0xcb: {  	(tag) =	ssettag $0x2  }
0xcc: {  	s0 =	rddreg [dreg:$0x0];
	s2 =	stileid.u32  }
0xcd: {  	s1 =	rddreg [dreg:$0x1];
	p0 =	sne.s32 s2, $0x0  }
0xce: {  	s3 =	rddreg [dreg:$0x2];
	[bflag:$0x3] =	sbarrier.arrive $0xFFFF;
	s2 =	simm.s32 @!p0 $0x1C09  }
0xcf: {  	[timem:s3], [sflag:s2] =	dma.local @!p0 [hbm:s0], s1  }
0xd0: {  	s0 =	simm.s32 @!p0 $0x9  }
0xd1: {  	_ =	swait.ge @!p0 [sflag:s0], s1  }
0xd2: {  	s1 =	ssub.s32 @!p0 $0x0, s1;
	[sflag:s0] =	ssyncset.done @!p0 $0x0  }
0xd3: {  	[sflag:s0] =	ssyncadd.s32 @!p0 s1  }
0xd4: {  	[bflag:$0x3] =	sbarrier.arrive $0xFFFF  }
0xd5: {  	_ =	shalt  }

</sc_bundles>
